<compile_context>
chip_gen: v7x
topology: tpu7x:2x2x1
jax: 0.10.2.dev20260603
libtpu: 0.0.44.dev20260713+nightly
codegen_flags: <defaults>
</compile_context>

<pallas_src>
import functools

import jax
import jax.numpy as jnp
from jax import lax
from jax.experimental import pallas as pl
from jax.experimental.pallas import tpu as pltpu
from jax.experimental.pallas import tpu_sc as plsc

EMBEDDING_DIM = 128
NUM_POS = 8192
PAD_IDX = 1
B, S = 4, 8192
N_TOK = B * S

NC, NS = 2, 16
NW = NC * NS
TOK_PER_W = N_TOK // NW
W_PER_ROW = S // TOK_PER_W
CHUNK = 128
CHUNKS = TOK_PER_W // CHUNK
NBUF = 5


def _idx_body(batch_ref, seg_ref, idx_ref):
    b = batch_ref[...]
    seg = seg_ref[...]
    mask = b != PAD_IDX
    m = mask.astype(jnp.int32)
    c = m
    shift = 1
    while shift < S:
        shifted = jnp.concatenate(
            [jnp.zeros((B, shift), jnp.int32), c[:, : S - shift]], axis=1
        )
        c = c + shifted
        shift *= 2
    positions = c * m + PAD_IDX
    idx_ref[...] = jnp.where(mask, positions + NUM_POS * seg, PAD_IDX)


_idx_call = pl.pallas_call(
    _idx_body,
    out_shape=jax.ShapeDtypeStruct((B, S), jnp.int32),
)


_sc_mesh = plsc.VectorSubcoreMesh(core_axis_name="c", subcore_axis_name="s")


@functools.partial(
    pl.kernel,
    mesh=_sc_mesh,
    out_type=jax.ShapeDtypeStruct((N_TOK, EMBEDDING_DIM), jnp.float32),
    scratch_types=[
        pltpu.VMEM((TOK_PER_W,), jnp.int32),
        *[pltpu.VMEM((CHUNK, EMBEDDING_DIM), jnp.float32) for _ in range(NBUF)],
        *[pltpu.SemaphoreType.DMA for _ in range(2 * NBUF + 1)],
    ],
)
def _gather_kernel(weight_hbm, idx_hbm, out_hbm, idx_v, *bufs_and_sems):
    rows = bufs_and_sems[:NBUF]
    gsem = bufs_and_sems[NBUF : 2 * NBUF]
    wsem = bufs_and_sems[2 * NBUF : 3 * NBUF]
    isem = bufs_and_sems[3 * NBUF]
    wid = lax.axis_index("s") * NC + lax.axis_index("c")
    row_b = wid // W_PER_ROW
    col0 = (wid % W_PER_ROW) * TOK_PER_W
    base = wid * TOK_PER_W
    HALF = TOK_PER_W // 2
    ih = [
        pltpu.make_async_copy(
            idx_hbm.at[row_b, pl.ds(col0 + h * HALF, HALF)],
            idx_v.at[pl.ds(h * HALF, HALF)],
            isem,
        )
        for h in range(2)
    ]
    ih[0].start()
    ih[1].start()
    ih[0].wait()

    def g_start(j):
        pltpu.async_copy(
            weight_hbm.at[idx_v.at[pl.ds(j * CHUNK, CHUNK)]],
            rows[j % NBUF],
            gsem[j % NBUF],
        )

    def g_wait(j):
        pltpu.make_async_copy(
            weight_hbm.at[idx_v.at[pl.ds(j * CHUNK, CHUNK)]],
            rows[j % NBUF],
            gsem[j % NBUF],
        ).wait()

    def w_start(j):
        pltpu.async_copy(
            rows[j % NBUF],
            out_hbm.at[pl.ds(base + j * CHUNK, CHUNK)],
            wsem[j % NBUF],
        )

    def w_wait(j):
        pltpu.make_async_copy(
            rows[j % NBUF],
            out_hbm.at[pl.ds(base + j * CHUNK, CHUNK)],
            wsem[j % NBUF],
        ).wait()

    for j in range(CHUNKS // 2):
        g_start(j)
    ih[1].wait()
    for j in range(CHUNKS // 2, NBUF - 1):
        g_start(j)
    for j in range(CHUNKS):
        g_wait(j)
        w_start(j)
        if j + NBUF - 1 < CHUNKS:
            if j >= 1:
                w_wait(j - 1)
            g_start(j + NBUF - 1)
    for j in range(CHUNKS - NBUF, CHUNKS):
        w_wait(j)


def kernel(batch, seg_labels, weight):
    batch = batch.astype(jnp.int32)
    seg_labels = seg_labels.astype(jnp.int32)
    idx = _idx_call(batch, seg_labels)
    out = _gather_kernel(weight, idx)
    return out.reshape(B, S, EMBEDDING_DIM)

# --- scband reference (transcript-rebuilt; emitter-appended) ---
"""Pipeline reference for scband-position-segment-embedding-33174327394977 (READ-ONLY COPY).

The authoritative reference and input builder live on the scoring server;
editing this copy changes nothing except your own understanding.
"""

import math
import jax, jax.numpy as jnp
import numpy as np

EMBEDDING_DIM = 128
PSE_SEG_DIM = 16
NUM_POS = 8192
NUM_SEG = 16
POS_PADDING_IDX = 1
SEG_PADDING_IDX = 1
B, S = 4, 8192


def _sinusoidal(num_embeddings, embedding_dim, padding_idx):
    half_dim = embedding_dim // 2
    emb = math.log(10000) / (half_dim - 1)
    emb = np.exp(np.arange(half_dim, dtype=np.float32) * -emb)
    emb = np.arange(num_embeddings, dtype=np.float32)[:, None] * emb[None, :]
    emb = np.concatenate([np.sin(emb), np.cos(emb)], axis=1).reshape(num_embeddings, -1)
    if embedding_dim % 2 == 1:
        emb = np.concatenate([emb, np.zeros((num_embeddings, 1), dtype=np.float32)], axis=1)
    if padding_idx is not None:
        emb[padding_idx, :] = 0.0
    return emb.astype(np.float32)


def _build_weight():
    pos_dim = EMBEDDING_DIM - PSE_SEG_DIM
    # PositionalEmbedding (sinusoidal): init_size = num_pos + pos_padding_idx + 1
    w_pe_full = _sinusoidal(NUM_POS + POS_PADDING_IDX + 1, pos_dim, POS_PADDING_IDX)
    w_pe = w_pe_full[POS_PADDING_IDX + 1:]
    # SegmentEmbedding (sinusoidal): init_size = num_seg + seg_padding_idx + 1
    w_se_full = _sinusoidal(NUM_SEG + SEG_PADDING_IDX + 1, PSE_SEG_DIM, SEG_PADDING_IDX)
    w_se = w_se_full[SEG_PADDING_IDX + 1:]
    # w_pe repeated num_seg times along rows; w_se rows each repeated num_pos times
    w_pe_rep = np.tile(w_pe, (w_se.shape[0], 1))
    w_se_rep = np.repeat(w_se, w_pe.shape[0], axis=0)
    _weight = np.concatenate([w_pe_rep, w_se_rep], axis=1)
    weight = np.concatenate([np.zeros((POS_PADDING_IDX + 1, _weight.shape[1]), dtype=np.float32), _weight], axis=0)
    return jnp.asarray(weight)


def setup_inputs(seed: int = 0) -> dict:
    key = jax.random.key(seed)
    k1, k2 = jax.random.split(key, 2)
    batch = jax.random.randint(k1, (B, S), 0, 30000, dtype=jnp.int64 if jax.config.read('jax_enable_x64') else jnp.int32)
    seg_labels = jax.random.randint(k2, (B, S), 0, NUM_SEG, dtype=batch.dtype)
    weight = _build_weight()
    return {"batch": batch, "seg_labels": seg_labels, "weight": weight}


def reference(batch, seg_labels, weight):
    # make_positions: pad tokens get padding_idx, others get padding_idx + cumulative position
    mask = (batch != POS_PADDING_IDX)
    positions = jnp.cumsum(mask.astype(batch.dtype), axis=1) * mask.astype(batch.dtype) + POS_PADDING_IDX
    # combined index into the fused position-segment table:
    # row = pos_padding_idx + 1 + (pos0) + num_pos * seg  -> positions + num_pos * seg for non-pad
    idx = jnp.where(mask, positions + NUM_POS * seg_labels, POS_PADDING_IDX)
    emb = jnp.take(weight, idx.reshape(-1), axis=0).reshape(batch.shape[0], batch.shape[1], -1)
    return emb

if __name__ == "__main__":
    import jax
    _d = setup_inputs()
    print(jax.jit(kernel)(*tuple(_d.values())))

</pallas_src>

<mosaic_0001>
#map = affine_map<(d0, d1) -> (0, 0)>
module attributes {stable_mosaic.version = 14 : i64} {
  func.func @_gather_kernel(%arg0: i32, %arg1: i32, %arg2: memref<131074x128xf32, #tpu.memory_space<hbm>>, %arg3: memref<4x8192xi32, #tpu.memory_space<hbm>>, %arg4: memref<32768x128xf32, #tpu.memory_space<hbm>>, %arg5: memref<1024xi32, #tpu.memory_space<vmem>>, %arg6: memref<128x128xf32, #tpu.memory_space<vmem>>, %arg7: memref<128x128xf32, #tpu.memory_space<vmem>>, %arg8: memref<128x128xf32, #tpu.memory_space<vmem>>, %arg9: memref<128x128xf32, #tpu.memory_space<vmem>>, %arg10: memref<128x128xf32, #tpu.memory_space<vmem>>, %arg11: memref<!tpu.dma_semaphore, #tpu.memory_space<semaphore_mem>>, %arg12: memref<!tpu.dma_semaphore, #tpu.memory_space<semaphore_mem>>, %arg13: memref<!tpu.dma_semaphore, #tpu.memory_space<semaphore_mem>>, %arg14: memref<!tpu.dma_semaphore, #tpu.memory_space<semaphore_mem>>, %arg15: memref<!tpu.dma_semaphore, #tpu.memory_space<semaphore_mem>>, %arg16: memref<!tpu.dma_semaphore, #tpu.memory_space<semaphore_mem>>, %arg17: memref<!tpu.dma_semaphore, #tpu.memory_space<semaphore_mem>>, %arg18: memref<!tpu.dma_semaphore, #tpu.memory_space<semaphore_mem>>, %arg19: memref<!tpu.dma_semaphore, #tpu.memory_space<semaphore_mem>>, %arg20: memref<!tpu.dma_semaphore, #tpu.memory_space<semaphore_mem>>, %arg21: memref<!tpu.dma_semaphore, #tpu.memory_space<semaphore_mem>>) attributes {dimension_semantics = [#tpu.dimension_semantics<core_parallel>, #tpu.dimension_semantics<subcore_parallel>], iteration_bounds = array<i64: 2, 16>, scalar_prefetch = 0 : i64, scratch_operands = 17 : i64, tpu.core_type = #tpu.core_type<sc_vector_subcore>, window_params = [{transform_indices = #map}, {transform_indices = #map}, {transform_indices = #map}]} {
    %mul3A = arith.constant 2 : i32
    %mul3A_0 = arith.muli %arg1, %mul3A : i32
    %add3A = arith.addi %mul3A_0, %arg0 : i32
    %jit3A = arith.constant 8 : i32
    %div3A = arith.divsi %add3A, %jit3A : i32
    %sign3A = arith.constant 0 : i32
    %sign3A_1 = arith.cmpi sgt, %add3A, %sign3A : i32
    %sign3A_2 = arith.extui %sign3A_1 : i1 to i32
    %sign3A_3 = arith.constant 0 : i32
    %sign3A_4 = arith.cmpi slt, %add3A, %sign3A_3 : i32
    %sign3A_5 = arith.extui %sign3A_4 : i1 to i32
    %sign3A_6 = arith.subi %sign3A_2, %sign3A_5 : i32
    %sign3A_7 = arith.constant 0 : i32
    %sign3A_8 = arith.cmpi sgt, %jit3A, %sign3A_7 : i32
    %sign3A_9 = arith.extui %sign3A_8 : i1 to i32
    %sign3A_10 = arith.constant 0 : i32
    %sign3A_11 = arith.cmpi slt, %jit3A, %sign3A_10 : i32
    %sign3A_12 = arith.extui %sign3A_11 : i1 to i32
    %sign3A_13 = arith.subi %sign3A_9, %sign3A_12 : i32
    %ne3A = arith.cmpi ne, %sign3A_6, %sign3A_13 : i32
    %rem3A = arith.remsi %add3A, %jit3A : i32
    %ne3A_14 = arith.constant 0 : i32
    %ne3A_15 = arith.cmpi ne, %rem3A, %ne3A_14 : i32
    %and3A = arith.andi %ne3A, %ne3A_15 : i1
    %sub3A = arith.constant 1 : i32
    %sub3A_16 = arith.subi %div3A, %sub3A : i32
    %select_n3A = arith.select %and3A, %sub3A_16, %div3A : i32
    %jit3A_17 = arith.constant 8 : i32
    %eq3A = arith.constant 0 : i32
    %eq3A_18 = arith.cmpi eq, %jit3A_17, %eq3A : i32
    %jit3A_19 = arith.constant 1 : i32
    %select_n3A_20 = arith.select %eq3A_18, %jit3A_19, %jit3A_17 : i32
    %rem3A_21 = arith.remsi %add3A, %select_n3A_20 : i32
    %ne3A_22 = arith.constant 0 : i32
    %ne3A_23 = arith.cmpi ne, %rem3A_21, %ne3A_22 : i32
    %lt3A = arith.constant 0 : i32
    %lt3A_24 = arith.cmpi slt, %rem3A_21, %lt3A : i32
    %lt3A_25 = arith.constant 0 : i32
    %lt3A_26 = arith.cmpi slt, %select_n3A_20, %lt3A_25 : i32
    %ne3A_27 = arith.xori %lt3A_24, %lt3A_26 : i1
    %and3A_28 = arith.andi %ne3A_27, %ne3A_23 : i1
    %add3A_29 = arith.addi %rem3A_21, %select_n3A_20 : i32
    %select_n3A_30 = arith.select %and3A_28, %add3A_29, %rem3A_21 : i32
    %mul3A_31 = arith.constant 1024 : i32
    %mul3A_32 = arith.muli %select_n3A_30, %mul3A_31 : i32
    %mul3A_33 = arith.constant 1024 : i32
    %mul3A_34 = arith.muli %add3A, %mul3A_33 : i32
    %add3A_35 = arith.constant 0 : i32
    %add3A_36 = arith.addi %mul3A_32, %add3A_35 : i32
    %add3A_37 = arith.constant 512 : i32
    %add3A_38 = arith.addi %mul3A_32, %add3A_37 : i32
    %dma_start3A = arith.constant 0 : i32
    %dma_start3A_39 = tpu.memref_slice %arg5[%dma_start3A] : memref<1024xi32, #tpu.memory_space<vmem>> -> memref<512xi32, #tpu.memory_space<vmem>>
    %dma_start3A_40 = tpu.memref_slice %arg3[%select_n3A, %add3A_36] : memref<4x8192xi32, #tpu.memory_space<hbm>> -> memref<1x512xi32, #tpu.memory_space<hbm>>
    %dma_start3A_41 = tpu.memref_squeeze %dma_start3A_40 : memref<1x512xi32, #tpu.memory_space<hbm>> -> memref<512xi32, #tpu.memory_space<hbm>>
    %dma_start3A_42 = arith.constant 0 : i32
    %dma_start3A_43 = tpu.memref_slice %arg5[%dma_start3A_42] : memref<1024xi32, #tpu.memory_space<vmem>> -> memref<512xi32, #tpu.memory_space<vmem>>
    %dma_start3A_44 = tpu.memref_slice %arg3[%select_n3A, %add3A_36] : memref<4x8192xi32, #tpu.memory_space<hbm>> -> memref<1x512xi32, #tpu.memory_space<hbm>>
    %dma_start3A_45 = tpu.memref_squeeze %dma_start3A_44 : memref<1x512xi32, #tpu.memory_space<hbm>> -> memref<512xi32, #tpu.memory_space<hbm>>
    tpu.enqueue_dma source(%dma_start3A_45 : memref<512xi32, #tpu.memory_space<hbm>>) target(%dma_start3A_43 : memref<512xi32, #tpu.memory_space<vmem>>) target_semaphore(%arg21 : memref<!tpu.dma_semaphore, #tpu.memory_space<semaphore_mem>>)
    %dma_start3A_46 = arith.constant 512 : i32
    %dma_start3A_47 = tpu.memref_slice %arg5[%dma_start3A_46] : memref<1024xi32, #tpu.memory_space<vmem>> -> memref<512xi32, #tpu.memory_space<vmem>>
    %dma_start3A_48 = tpu.memref_slice %arg3[%select_n3A, %add3A_38] : memref<4x8192xi32, #tpu.memory_space<hbm>> -> memref<1x512xi32, #tpu.memory_space<hbm>>
    %dma_start3A_49 = tpu.memref_squeeze %dma_start3A_48 : memref<1x512xi32, #tpu.memory_space<hbm>> -> memref<512xi32, #tpu.memory_space<hbm>>
    %dma_start3A_50 = arith.constant 512 : i32
    %dma_start3A_51 = tpu.memref_slice %arg5[%dma_start3A_50] : memref<1024xi32, #tpu.memory_space<vmem>> -> memref<512xi32, #tpu.memory_space<vmem>>
    %dma_start3A_52 = tpu.memref_slice %arg3[%select_n3A, %add3A_38] : memref<4x8192xi32, #tpu.memory_space<hbm>> -> memref<1x512xi32, #tpu.memory_space<hbm>>
    %dma_start3A_53 = tpu.memref_squeeze %dma_start3A_52 : memref<1x512xi32, #tpu.memory_space<hbm>> -> memref<512xi32, #tpu.memory_space<hbm>>
    tpu.enqueue_dma source(%dma_start3A_53 : memref<512xi32, #tpu.memory_space<hbm>>) target(%dma_start3A_51 : memref<512xi32, #tpu.memory_space<vmem>>) target_semaphore(%arg21 : memref<!tpu.dma_semaphore, #tpu.memory_space<semaphore_mem>>)
    %dma_wait3A = arith.constant 0 : i32
    %dma_wait3A_54 = tpu.memref_slice %arg5[%dma_wait3A] : memref<1024xi32, #tpu.memory_space<vmem>> -> memref<512xi32, #tpu.memory_space<vmem>>
    %dma_wait3A_55 = tpu.memref_slice %arg3[%select_n3A, %add3A_36] : memref<4x8192xi32, #tpu.memory_space<hbm>> -> memref<1x512xi32, #tpu.memory_space<hbm>>
    %dma_wait3A_56 = tpu.memref_squeeze %dma_wait3A_55 : memref<1x512xi32, #tpu.memory_space<hbm>> -> memref<512xi32, #tpu.memory_space<hbm>>
    %dma_wait3A_57 = arith.constant 0 : i32
    %dma_wait3A_58 = tpu.memref_slice %arg5[%dma_wait3A_57] : memref<1024xi32, #tpu.memory_space<vmem>> -> memref<512xi32, #tpu.memory_space<vmem>>
    %dma_wait3A_59 = tpu.memref_slice %arg3[%select_n3A, %add3A_36] : memref<4x8192xi32, #tpu.memory_space<hbm>> -> memref<1x512xi32, #tpu.memory_space<hbm>>
    %dma_wait3A_60 = tpu.memref_squeeze %dma_wait3A_59 : memref<1x512xi32, #tpu.memory_space<hbm>> -> memref<512xi32, #tpu.memory_space<hbm>>
    tpu.wait_dma2 semaphore(%arg21 : memref<!tpu.dma_semaphore, #tpu.memory_space<semaphore_mem>>) src(%dma_wait3A_60 : memref<512xi32, #tpu.memory_space<hbm>>) dst(%dma_wait3A_58 : memref<512xi32, #tpu.memory_space<vmem>>)
    %dma_start3A_61 = arith.constant 0 : i32
    %dma_start3A_62 = tpu.memref_slice %arg5[%dma_start3A_61] : memref<1024xi32, #tpu.memory_space<vmem>> -> memref<128xi32, #tpu.memory_space<vmem>>
    %dma_start3A_63 = arith.constant 0 : i32
    %dma_start3A_64 = arith.constant 0 : i32
    %dma_start3A_65 = tpu.memref_slice %arg2[%dma_start3A_63, %dma_start3A_64] : memref<131074x128xf32, #tpu.memory_space<hbm>> -> memref<131074x128xf32, #tpu.memory_space<hbm>>
    tpu.enqueue_indirect_dma source(%dma_start3A_65 : memref<131074x128xf32, #tpu.memory_space<hbm>>) target(%arg6 : memref<128x128xf32, #tpu.memory_space<vmem>>) offsets(%dma_start3A_62 : memref<128xi32, #tpu.memory_space<vmem>>) semaphore(%arg11 : memref<!tpu.dma_semaphore, #tpu.memory_space<semaphore_mem>>)
    %dma_start3A_66 = arith.constant 128 : i32
    %dma_start3A_67 = tpu.memref_slice %arg5[%dma_start3A_66] : memref<1024xi32, #tpu.memory_space<vmem>> -> memref<128xi32, #tpu.memory_space<vmem>>
    %dma_start3A_68 = arith.constant 0 : i32
    %dma_start3A_69 = arith.constant 0 : i32
    %dma_start3A_70 = tpu.memref_slice %arg2[%dma_start3A_68, %dma_start3A_69] : memref<131074x128xf32, #tpu.memory_space<hbm>> -> memref<131074x128xf32, #tpu.memory_space<hbm>>
    tpu.enqueue_indirect_dma source(%dma_start3A_70 : memref<131074x128xf32, #tpu.memory_space<hbm>>) target(%arg7 : memref<128x128xf32, #tpu.memory_space<vmem>>) offsets(%dma_start3A_67 : memref<128xi32, #tpu.memory_space<vmem>>) semaphore(%arg12 : memref<!tpu.dma_semaphore, #tpu.memory_space<semaphore_mem>>)
    %dma_start3A_71 = arith.constant 256 : i32
    %dma_start3A_72 = tpu.memref_slice %arg5[%dma_start3A_71] : memref<1024xi32, #tpu.memory_space<vmem>> -> memref<128xi32, #tpu.memory_space<vmem>>
    %dma_start3A_73 = arith.constant 0 : i32
    %dma_start3A_74 = arith.constant 0 : i32
    %dma_start3A_75 = tpu.memref_slice %arg2[%dma_start3A_73, %dma_start3A_74] : memref<131074x128xf32, #tpu.memory_space<hbm>> -> memref<131074x128xf32, #tpu.memory_space<hbm>>
    tpu.enqueue_indirect_dma source(%dma_start3A_75 : memref<131074x128xf32, #tpu.memory_space<hbm>>) target(%arg8 : memref<128x128xf32, #tpu.memory_space<vmem>>) offsets(%dma_start3A_72 : memref<128xi32, #tpu.memory_space<vmem>>) semaphore(%arg13 : memref<!tpu.dma_semaphore, #tpu.memory_space<semaphore_mem>>)
    %dma_start3A_76 = arith.constant 384 : i32
    %dma_start3A_77 = tpu.memref_slice %arg5[%dma_start3A_76] : memref<1024xi32, #tpu.memory_space<vmem>> -> memref<128xi32, #tpu.memory_space<vmem>>
    %dma_start3A_78 = arith.constant 0 : i32
    %dma_start3A_79 = arith.constant 0 : i32
    %dma_start3A_80 = tpu.memref_slice %arg2[%dma_start3A_78, %dma_start3A_79] : memref<131074x128xf32, #tpu.memory_space<hbm>> -> memref<131074x128xf32, #tpu.memory_space<hbm>>
    tpu.enqueue_indirect_dma source(%dma_start3A_80 : memref<131074x128xf32, #tpu.memory_space<hbm>>) target(%arg9 : memref<128x128xf32, #tpu.memory_space<vmem>>) offsets(%dma_start3A_77 : memref<128xi32, #tpu.memory_space<vmem>>) semaphore(%arg14 : memref<!tpu.dma_semaphore, #tpu.memory_space<semaphore_mem>>)
    %dma_wait3A_81 = arith.constant 512 : i32
    %dma_wait3A_82 = tpu.memref_slice %arg5[%dma_wait3A_81] : memref<1024xi32, #tpu.memory_space<vmem>> -> memref<512xi32, #tpu.memory_space<vmem>>
    %dma_wait3A_83 = tpu.memref_slice %arg3[%select_n3A, %add3A_38] : memref<4x8192xi32, #tpu.memory_space<hbm>> -> memref<1x512xi32, #tpu.memory_space<hbm>>
    %dma_wait3A_84 = tpu.memref_squeeze %dma_wait3A_83 : memref<1x512xi32, #tpu.memory_space<hbm>> -> memref<512xi32, #tpu.memory_space<hbm>>
    %dma_wait3A_85 = arith.constant 512 : i32
    %dma_wait3A_86 = tpu.memref_slice %arg5[%dma_wait3A_85] : memref<1024xi32, #tpu.memory_space<vmem>> -> memref<512xi32, #tpu.memory_space<vmem>>
    %dma_wait3A_87 = tpu.memref_slice %arg3[%select_n3A, %add3A_38] : memref<4x8192xi32, #tpu.memory_space<hbm>> -> memref<1x512xi32, #tpu.memory_space<hbm>>
    %dma_wait3A_88 = tpu.memref_squeeze %dma_wait3A_87 : memref<1x512xi32, #tpu.memory_space<hbm>> -> memref<512xi32, #tpu.memory_space<hbm>>
    tpu.wait_dma2 semaphore(%arg21 : memref<!tpu.dma_semaphore, #tpu.memory_space<semaphore_mem>>) src(%dma_wait3A_88 : memref<512xi32, #tpu.memory_space<hbm>>) dst(%dma_wait3A_86 : memref<512xi32, #tpu.memory_space<vmem>>)
    %dma_wait3A_89 = arith.constant 0 : i32
    %dma_wait3A_90 = tpu.memref_slice %arg5[%dma_wait3A_89] : memref<1024xi32, #tpu.memory_space<vmem>> -> memref<128xi32, #tpu.memory_space<vmem>>
    %dma_wait3A_91 = arith.constant 0 : i32
    %dma_wait3A_92 = arith.constant 0 : i32
    %dma_wait3A_93 = tpu.memref_slice %arg2[%dma_wait3A_91, %dma_wait3A_92] : memref<131074x128xf32, #tpu.memory_space<hbm>> -> memref<131074x128xf32, #tpu.memory_space<hbm>>
    tpu.wait_indirect_dma semaphore(%arg11 : memref<!tpu.dma_semaphore, #tpu.memory_space<semaphore_mem>>) src(%dma_wait3A_93 : memref<131074x128xf32, #tpu.memory_space<hbm>>) dst(%arg6 : memref<128x128xf32, #tpu.memory_space<vmem>>)
    %add3A_94 = arith.constant 0 : i32
    %add3A_95 = arith.addi %mul3A_34, %add3A_94 : i32
    %dma_start3A_96 = arith.constant 0 : i32
    %dma_start3A_97 = tpu.memref_slice %arg4[%add3A_95, %dma_start3A_96] : memref<32768x128xf32, #tpu.memory_space<hbm>> -> memref<128x128xf32, #tpu.memory_space<hbm>>
    %dma_start3A_98 = arith.constant 0 : i32
    %dma_start3A_99 = tpu.memref_slice %arg4[%add3A_95, %dma_start3A_98] : memref<32768x128xf32, #tpu.memory_space<hbm>> -> memref<128x128xf32, #tpu.memory_space<hbm>>
    tpu.enqueue_dma source(%arg6 : memref<128x128xf32, #tpu.memory_space<vmem>>) target(%dma_start3A_99 : memref<128x128xf32, #tpu.memory_space<hbm>>) target_semaphore(%arg16 : memref<!tpu.dma_semaphore, #tpu.memory_space<semaphore_mem>>)
    %dma_start3A_100 = arith.constant 512 : i32
    %dma_start3A_101 = tpu.memref_slice %arg5[%dma_start3A_100] : memref<1024xi32, #tpu.memory_space<vmem>> -> memref<128xi32, #tpu.memory_space<vmem>>
    %dma_start3A_102 = arith.constant 0 : i32
    %dma_start3A_103 = arith.constant 0 : i32
    %dma_start3A_104 = tpu.memref_slice %arg2[%dma_start3A_102, %dma_start3A_103] : memref<131074x128xf32, #tpu.memory_space<hbm>> -> memref<131074x128xf32, #tpu.memory_space<hbm>>
    tpu.enqueue_indirect_dma source(%dma_start3A_104 : memref<131074x128xf32, #tpu.memory_space<hbm>>) target(%arg10 : memref<128x128xf32, #tpu.memory_space<vmem>>) offsets(%dma_start3A_101 : memref<128xi32, #tpu.memory_space<vmem>>) semaphore(%arg15 : memref<!tpu.dma_semaphore, #tpu.memory_space<semaphore_mem>>)
    %dma_wait3A_105 = arith.constant 128 : i32
    %dma_wait3A_106 = tpu.memref_slice %arg5[%dma_wait3A_105] : memref<1024xi32, #tpu.memory_space<vmem>> -> memref<128xi32, #tpu.memory_space<vmem>>
    %dma_wait3A_107 = arith.constant 0 : i32
    %dma_wait3A_108 = arith.constant 0 : i32
    %dma_wait3A_109 = tpu.memref_slice %arg2[%dma_wait3A_107, %dma_wait3A_108] : memref<131074x128xf32, #tpu.memory_space<hbm>> -> memref<131074x128xf32, #tpu.memory_space<hbm>>
    tpu.wait_indirect_dma semaphore(%arg12 : memref<!tpu.dma_semaphore, #tpu.memory_space<semaphore_mem>>) src(%dma_wait3A_109 : memref<131074x128xf32, #tpu.memory_space<hbm>>) dst(%arg7 : memref<128x128xf32, #tpu.memory_space<vmem>>)
    %add3A_110 = arith.constant 128 : i32
    %add3A_111 = arith.addi %mul3A_34, %add3A_110 : i32
    %dma_start3A_112 = arith.constant 0 : i32
    %dma_start3A_113 = tpu.memref_slice %arg4[%add3A_111, %dma_start3A_112] : memref<32768x128xf32, #tpu.memory_space<hbm>> -> memref<128x128xf32, #tpu.memory_space<hbm>>
    %dma_start3A_114 = arith.constant 0 : i32
    %dma_start3A_115 = tpu.memref_slice %arg4[%add3A_111, %dma_start3A_114] : memref<32768x128xf32, #tpu.memory_space<hbm>> -> memref<128x128xf32, #tpu.memory_space<hbm>>
    tpu.enqueue_dma source(%arg7 : memref<128x128xf32, #tpu.memory_space<vmem>>) target(%dma_start3A_115 : memref<128x128xf32, #tpu.memory_space<hbm>>) target_semaphore(%arg17 : memref<!tpu.dma_semaphore, #tpu.memory_space<semaphore_mem>>)
    %add3A_116 = arith.constant 0 : i32
    %add3A_117 = arith.addi %mul3A_34, %add3A_116 : i32
    %dma_wait3A_118 = arith.constant 0 : i32
    %dma_wait3A_119 = tpu.memref_slice %arg4[%add3A_117, %dma_wait3A_118] : memref<32768x128xf32, #tpu.memory_space<hbm>> -> memref<128x128xf32, #tpu.memory_space<hbm>>
    %dma_wait3A_120 = arith.constant 0 : i32
    %dma_wait3A_121 = tpu.memref_slice %arg4[%add3A_117, %dma_wait3A_120] : memref<32768x128xf32, #tpu.memory_space<hbm>> -> memref<128x128xf32, #tpu.memory_space<hbm>>
    tpu.wait_dma2 semaphore(%arg16 : memref<!tpu.dma_semaphore, #tpu.memory_space<semaphore_mem>>) src(%arg6 : memref<128x128xf32, #tpu.memory_space<vmem>>) dst(%dma_wait3A_121 : memref<128x128xf32, #tpu.memory_space<hbm>>)
    %dma_start3A_122 = arith.constant 640 : i32
    %dma_start3A_123 = tpu.memref_slice %arg5[%dma_start3A_122] : memref<1024xi32, #tpu.memory_space<vmem>> -> memref<128xi32, #tpu.memory_space<vmem>>
    %dma_start3A_124 = arith.constant 0 : i32
    %dma_start3A_125 = arith.constant 0 : i32
    %dma_start3A_126 = tpu.memref_slice %arg2[%dma_start3A_124, %dma_start3A_125] : memref<131074x128xf32, #tpu.memory_space<hbm>> -> memref<131074x128xf32, #tpu.memory_space<hbm>>
    tpu.enqueue_indirect_dma source(%dma_start3A_126 : memref<131074x128xf32, #tpu.memory_space<hbm>>) target(%arg6 : memref<128x128xf32, #tpu.memory_space<vmem>>) offsets(%dma_start3A_123 : memref<128xi32, #tpu.memory_space<vmem>>) semaphore(%arg11 : memref<!tpu.dma_semaphore, #tpu.memory_space<semaphore_mem>>)
    %dma_wait3A_127 = arith.constant 256 : i32
    %dma_wait3A_128 = tpu.memref_slice %arg5[%dma_wait3A_127] : memref<1024xi32, #tpu.memory_space<vmem>> -> memref<128xi32, #tpu.memory_space<vmem>>
    %dma_wait3A_129 = arith.constant 0 : i32
    %dma_wait3A_130 = arith.constant 0 : i32
    %dma_wait3A_131 = tpu.memref_slice %arg2[%dma_wait3A_129, %dma_wait3A_130] : memref<131074x128xf32, #tpu.memory_space<hbm>> -> memref<131074x128xf32, #tpu.memory_space<hbm>>
    tpu.wait_indirect_dma semaphore(%arg13 : memref<!tpu.dma_semaphore, #tpu.memory_space<semaphore_mem>>) src(%dma_wait3A_131 : memref<131074x128xf32, #tpu.memory_space<hbm>>) dst(%arg8 : memref<128x128xf32, #tpu.memory_space<vmem>>)
    %add3A_132 = arith.constant 256 : i32
    %add3A_133 = arith.addi %mul3A_34, %add3A_132 : i32
    %dma_start3A_134 = arith.constant 0 : i32
    %dma_start3A_135 = tpu.memref_slice %arg4[%add3A_133, %dma_start3A_134] : memref<32768x128xf32, #tpu.memory_space<hbm>> -> memref<128x128xf32, #tpu.memory_space<hbm>>
    %dma_start3A_136 = arith.constant 0 : i32
    %dma_start3A_137 = tpu.memref_slice %arg4[%add3A_133, %dma_start3A_136] : memref<32768x128xf32, #tpu.memory_space<hbm>> -> memref<128x128xf32, #tpu.memory_space<hbm>>
    tpu.enqueue_dma source(%arg8 : memref<128x128xf32, #tpu.memory_space<vmem>>) target(%dma_start3A_137 : memref<128x128xf32, #tpu.memory_space<hbm>>) target_semaphore(%arg18 : memref<!tpu.dma_semaphore, #tpu.memory_space<semaphore_mem>>)
    %add3A_138 = arith.constant 128 : i32
    %add3A_139 = arith.addi %mul3A_34, %add3A_138 : i32
    %dma_wait3A_140 = arith.constant 0 : i32
    %dma_wait3A_141 = tpu.memref_slice %arg4[%add3A_139, %dma_wait3A_140] : memref<32768x128xf32, #tpu.memory_space<hbm>> -> memref<128x128xf32, #tpu.memory_space<hbm>>
    %dma_wait3A_142 = arith.constant 0 : i32
    %dma_wait3A_143 = tpu.memref_slice %arg4[%add3A_139, %dma_wait3A_142] : memref<32768x128xf32, #tpu.memory_space<hbm>> -> memref<128x128xf32, #tpu.memory_space<hbm>>
    tpu.wait_dma2 semaphore(%arg17 : memref<!tpu.dma_semaphore, #tpu.memory_space<semaphore_mem>>) src(%arg7 : memref<128x128xf32, #tpu.memory_space<vmem>>) dst(%dma_wait3A_143 : memref<128x128xf32, #tpu.memory_space<hbm>>)
    %dma_start3A_144 = arith.constant 768 : i32
    %dma_start3A_145 = tpu.memref_slice %arg5[%dma_start3A_144] : memref<1024xi32, #tpu.memory_space<vmem>> -> memref<128xi32, #tpu.memory_space<vmem>>
    %dma_start3A_146 = arith.constant 0 : i32
    %dma_start3A_147 = arith.constant 0 : i32
    %dma_start3A_148 = tpu.memref_slice %arg2[%dma_start3A_146, %dma_start3A_147] : memref<131074x128xf32, #tpu.memory_space<hbm>> -> memref<131074x128xf32, #tpu.memory_space<hbm>>
    tpu.enqueue_indirect_dma source(%dma_start3A_148 : memref<131074x128xf32, #tpu.memory_space<hbm>>) target(%arg7 : memref<128x128xf32, #tpu.memory_space<vmem>>) offsets(%dma_start3A_145 : memref<128xi32, #tpu.memory_space<vmem>>) semaphore(%arg12 : memref<!tpu.dma_semaphore, #tpu.memory_space<semaphore_mem>>)
    %dma_wait3A_149 = arith.constant 384 : i32
    %dma_wait3A_150 = tpu.memref_slice %arg5[%dma_wait3A_149] : memref<1024xi32, #tpu.memory_space<vmem>> -> memref<128xi32, #tpu.memory_space<vmem>>
    %dma_wait3A_151 = arith.constant 0 : i32
    %dma_wait3A_152 = arith.constant 0 : i32
    %dma_wait3A_153 = tpu.memref_slice %arg2[%dma_wait3A_151, %dma_wait3A_152] : memref<131074x128xf32, #tpu.memory_space<hbm>> -> memref<131074x128xf32, #tpu.memory_space<hbm>>
    tpu.wait_indirect_dma semaphore(%arg14 : memref<!tpu.dma_semaphore, #tpu.memory_space<semaphore_mem>>) src(%dma_wait3A_153 : memref<131074x128xf32, #tpu.memory_space<hbm>>) dst(%arg9 : memref<128x128xf32, #tpu.memory_space<vmem>>)
    %add3A_154 = arith.constant 384 : i32
    %add3A_155 = arith.addi %mul3A_34, %add3A_154 : i32
    %dma_start3A_156 = arith.constant 0 : i32
    %dma_start3A_157 = tpu.memref_slice %arg4[%add3A_155, %dma_start3A_156] : memref<32768x128xf32, #tpu.memory_space<hbm>> -> memref<128x128xf32, #tpu.memory_space<hbm>>
    %dma_start3A_158 = arith.constant 0 : i32
    %dma_start3A_159 = tpu.memref_slice %arg4[%add3A_155, %dma_start3A_158] : memref<32768x128xf32, #tpu.memory_space<hbm>> -> memref<128x128xf32, #tpu.memory_space<hbm>>
    tpu.enqueue_dma source(%arg9 : memref<128x128xf32, #tpu.memory_space<vmem>>) target(%dma_start3A_159 : memref<128x128xf32, #tpu.memory_space<hbm>>) target_semaphore(%arg19 : memref<!tpu.dma_semaphore, #tpu.memory_space<semaphore_mem>>)
    %add3A_160 = arith.constant 256 : i32
    %add3A_161 = arith.addi %mul3A_34, %add3A_160 : i32
    %dma_wait3A_162 = arith.constant 0 : i32
    %dma_wait3A_163 = tpu.memref_slice %arg4[%add3A_161, %dma_wait3A_162] : memref<32768x128xf32, #tpu.memory_space<hbm>> -> memref<128x128xf32, #tpu.memory_space<hbm>>
    %dma_wait3A_164 = arith.constant 0 : i32
    %dma_wait3A_165 = tpu.memref_slice %arg4[%add3A_161, %dma_wait3A_164] : memref<32768x128xf32, #tpu.memory_space<hbm>> -> memref<128x128xf32, #tpu.memory_space<hbm>>
    tpu.wait_dma2 semaphore(%arg18 : memref<!tpu.dma_semaphore, #tpu.memory_space<semaphore_mem>>) src(%arg8 : memref<128x128xf32, #tpu.memory_space<vmem>>) dst(%dma_wait3A_165 : memref<128x128xf32, #tpu.memory_space<hbm>>)
    %dma_start3A_166 = arith.constant 896 : i32
    %dma_start3A_167 = tpu.memref_slice %arg5[%dma_start3A_166] : memref<1024xi32, #tpu.memory_space<vmem>> -> memref<128xi32, #tpu.memory_space<vmem>>
    %dma_start3A_168 = arith.constant 0 : i32
    %dma_start3A_169 = arith.constant 0 : i32
    %dma_start3A_170 = tpu.memref_slice %arg2[%dma_start3A_168, %dma_start3A_169] : memref<131074x128xf32, #tpu.memory_space<hbm>> -> memref<131074x128xf32, #tpu.memory_space<hbm>>
    tpu.enqueue_indirect_dma source(%dma_start3A_170 : memref<131074x128xf32, #tpu.memory_space<hbm>>) target(%arg8 : memref<128x128xf32, #tpu.memory_space<vmem>>) offsets(%dma_start3A_167 : memref<128xi32, #tpu.memory_space<vmem>>) semaphore(%arg13 : memref<!tpu.dma_semaphore, #tpu.memory_space<semaphore_mem>>)
    %dma_wait3A_171 = arith.constant 512 : i32
    %dma_wait3A_172 = tpu.memref_slice %arg5[%dma_wait3A_171] : memref<1024xi32, #tpu.memory_space<vmem>> -> memref<128xi32, #tpu.memory_space<vmem>>
    %dma_wait3A_173 = arith.constant 0 : i32
    %dma_wait3A_174 = arith.constant 0 : i32
    %dma_wait3A_175 = tpu.memref_slice %arg2[%dma_wait3A_173, %dma_wait3A_174] : memref<131074x128xf32, #tpu.memory_space<hbm>> -> memref<131074x128xf32, #tpu.memory_space<hbm>>
    tpu.wait_indirect_dma semaphore(%arg15 : memref<!tpu.dma_semaphore, #tpu.memory_space<semaphore_mem>>) src(%dma_wait3A_175 : memref<131074x128xf32, #tpu.memory_space<hbm>>) dst(%arg10 : memref<128x128xf32, #tpu.memory_space<vmem>>)
    %add3A_176 = arith.constant 512 : i32
    %add3A_177 = arith.addi %mul3A_34, %add3A_176 : i32
    %dma_start3A_178 = arith.constant 0 : i32
    %dma_start3A_179 = tpu.memref_slice %arg4[%add3A_177, %dma_start3A_178] : memref<32768x128xf32, #tpu.memory_space<hbm>> -> memref<128x128xf32, #tpu.memory_space<hbm>>
    %dma_start3A_180 = arith.constant 0 : i32
    %dma_start3A_181 = tpu.memref_slice %arg4[%add3A_177, %dma_start3A_180] : memref<32768x128xf32, #tpu.memory_space<hbm>> -> memref<128x128xf32, #tpu.memory_space<hbm>>
    tpu.enqueue_dma source(%arg10 : memref<128x128xf32, #tpu.memory_space<vmem>>) target(%dma_start3A_181 : memref<128x128xf32, #tpu.memory_space<hbm>>) target_semaphore(%arg20 : memref<!tpu.dma_semaphore, #tpu.memory_space<semaphore_mem>>)
    %dma_wait3A_182 = arith.constant 640 : i32
    %dma_wait3A_183 = tpu.memref_slice %arg5[%dma_wait3A_182] : memref<1024xi32, #tpu.memory_space<vmem>> -> memref<128xi32, #tpu.memory_space<vmem>>
    %dma_wait3A_184 = arith.constant 0 : i32
    %dma_wait3A_185 = arith.constant 0 : i32
    %dma_wait3A_186 = tpu.memref_slice %arg2[%dma_wait3A_184, %dma_wait3A_185] : memref<131074x128xf32, #tpu.memory_space<hbm>> -> memref<131074x128xf32, #tpu.memory_space<hbm>>
    tpu.wait_indirect_dma semaphore(%arg11 : memref<!tpu.dma_semaphore, #tpu.memory_space<semaphore_mem>>) src(%dma_wait3A_186 : memref<131074x128xf32, #tpu.memory_space<hbm>>) dst(%arg6 : memref<128x128xf32, #tpu.memory_space<vmem>>)
    %add3A_187 = arith.constant 640 : i32
    %add3A_188 = arith.addi %mul3A_34, %add3A_187 : i32
    %dma_start3A_189 = arith.constant 0 : i32
    %dma_start3A_190 = tpu.memref_slice %arg4[%add3A_188, %dma_start3A_189] : memref<32768x128xf32, #tpu.memory_space<hbm>> -> memref<128x128xf32, #tpu.memory_space<hbm>>
    %dma_start3A_191 = arith.constant 0 : i32
    %dma_start3A_192 = tpu.memref_slice %arg4[%add3A_188, %dma_start3A_191] : memref<32768x128xf32, #tpu.memory_space<hbm>> -> memref<128x128xf32, #tpu.memory_space<hbm>>
    tpu.enqueue_dma source(%arg6 : memref<128x128xf32, #tpu.memory_space<vmem>>) target(%dma_start3A_192 : memref<128x128xf32, #tpu.memory_space<hbm>>) target_semaphore(%arg16 : memref<!tpu.dma_semaphore, #tpu.memory_space<semaphore_mem>>)
    %dma_wait3A_193 = arith.constant 768 : i32
    %dma_wait3A_194 = tpu.memref_slice %arg5[%dma_wait3A_193] : memref<1024xi32, #tpu.memory_space<vmem>> -> memref<128xi32, #tpu.memory_space<vmem>>
    %dma_wait3A_195 = arith.constant 0 : i32
    %dma_wait3A_196 = arith.constant 0 : i32
    %dma_wait3A_197 = tpu.memref_slice %arg2[%dma_wait3A_195, %dma_wait3A_196] : memref<131074x128xf32, #tpu.memory_space<hbm>> -> memref<131074x128xf32, #tpu.memory_space<hbm>>
    tpu.wait_indirect_dma semaphore(%arg12 : memref<!tpu.dma_semaphore, #tpu.memory_space<semaphore_mem>>) src(%dma_wait3A_197 : memref<131074x128xf32, #tpu.memory_space<hbm>>) dst(%arg7 : memref<128x128xf32, #tpu.memory_space<vmem>>)
    %add3A_198 = arith.constant 768 : i32
    %add3A_199 = arith.addi %mul3A_34, %add3A_198 : i32
    %dma_start3A_200 = arith.constant 0 : i32
    %dma_start3A_201 = tpu.memref_slice %arg4[%add3A_199, %dma_start3A_200] : memref<32768x128xf32, #tpu.memory_space<hbm>> -> memref<128x128xf32, #tpu.memory_space<hbm>>
    %dma_start3A_202 = arith.constant 0 : i32
    %dma_start3A_203 = tpu.memref_slice %arg4[%add3A_199, %dma_start3A_202] : memref<32768x128xf32, #tpu.memory_space<hbm>> -> memref<128x128xf32, #tpu.memory_space<hbm>>
    tpu.enqueue_dma source(%arg7 : memref<128x128xf32, #tpu.memory_space<vmem>>) target(%dma_start3A_203 : memref<128x128xf32, #tpu.memory_space<hbm>>) target_semaphore(%arg17 : memref<!tpu.dma_semaphore, #tpu.memory_space<semaphore_mem>>)
    %dma_wait3A_204 = arith.constant 896 : i32
    %dma_wait3A_205 = tpu.memref_slice %arg5[%dma_wait3A_204] : memref<1024xi32, #tpu.memory_space<vmem>> -> memref<128xi32, #tpu.memory_space<vmem>>
    %dma_wait3A_206 = arith.constant 0 : i32
    %dma_wait3A_207 = arith.constant 0 : i32
    %dma_wait3A_208 = tpu.memref_slice %arg2[%dma_wait3A_206, %dma_wait3A_207] : memref<131074x128xf32, #tpu.memory_space<hbm>> -> memref<131074x128xf32, #tpu.memory_space<hbm>>
    tpu.wait_indirect_dma semaphore(%arg13 : memref<!tpu.dma_semaphore, #tpu.memory_space<semaphore_mem>>) src(%dma_wait3A_208 : memref<131074x128xf32, #tpu.memory_space<hbm>>) dst(%arg8 : memref<128x128xf32, #tpu.memory_space<vmem>>)
    %add3A_209 = arith.constant 896 : i32
    %add3A_210 = arith.addi %mul3A_34, %add3A_209 : i32
    %dma_start3A_211 = arith.constant 0 : i32
    %dma_start3A_212 = tpu.memref_slice %arg4[%add3A_210, %dma_start3A_211] : memref<32768x128xf32, #tpu.memory_space<hbm>> -> memref<128x128xf32, #tpu.memory_space<hbm>>
    %dma_start3A_213 = arith.constant 0 : i32
    %dma_start3A_214 = tpu.memref_slice %arg4[%add3A_210, %dma_start3A_213] : memref<32768x128xf32, #tpu.memory_space<hbm>> -> memref<128x128xf32, #tpu.memory_space<hbm>>
    tpu.enqueue_dma source(%arg8 : memref<128x128xf32, #tpu.memory_space<vmem>>) target(%dma_start3A_214 : memref<128x128xf32, #tpu.memory_space<hbm>>) target_semaphore(%arg18 : memref<!tpu.dma_semaphore, #tpu.memory_space<semaphore_mem>>)
    %add3A_215 = arith.constant 384 : i32
    %add3A_216 = arith.addi %mul3A_34, %add3A_215 : i32
    %dma_wait3A_217 = arith.constant 0 : i32
    %dma_wait3A_218 = tpu.memref_slice %arg4[%add3A_216, %dma_wait3A_217] : memref<32768x128xf32, #tpu.memory_space<hbm>> -> memref<128x128xf32, #tpu.memory_space<hbm>>
    %dma_wait3A_219 = arith.constant 0 : i32
    %dma_wait3A_220 = tpu.memref_slice %arg4[%add3A_216, %dma_wait3A_219] : memref<32768x128xf32, #tpu.memory_space<hbm>> -> memref<128x128xf32, #tpu.memory_space<hbm>>
    tpu.wait_dma2 semaphore(%arg19 : memref<!tpu.dma_semaphore, #tpu.memory_space<semaphore_mem>>) src(%arg9 : memref<128x128xf32, #tpu.memory_space<vmem>>) dst(%dma_wait3A_220 : memref<128x128xf32, #tpu.memory_space<hbm>>)
    %add3A_221 = arith.constant 512 : i32
    %add3A_222 = arith.addi %mul3A_34, %add3A_221 : i32
    %dma_wait3A_223 = arith.constant 0 : i32
    %dma_wait3A_224 = tpu.memref_slice %arg4[%add3A_222, %dma_wait3A_223] : memref<32768x128xf32, #tpu.memory_space<hbm>> -> memref<128x128xf32, #tpu.memory_space<hbm>>
    %dma_wait3A_225 = arith.constant 0 : i32
    %dma_wait3A_226 = tpu.memref_slice %arg4[%add3A_222, %dma_wait3A_225] : memref<32768x128xf32, #tpu.memory_space<hbm>> -> memref<128x128xf32, #tpu.memory_space<hbm>>
    tpu.wait_dma2 semaphore(%arg20 : memref<!tpu.dma_semaphore, #tpu.memory_space<semaphore_mem>>) src(%arg10 : memref<128x128xf32, #tpu.memory_space<vmem>>) dst(%dma_wait3A_226 : memref<128x128xf32, #tpu.memory_space<hbm>>)
    %add3A_227 = arith.constant 640 : i32
    %add3A_228 = arith.addi %mul3A_34, %add3A_227 : i32
    %dma_wait3A_229 = arith.constant 0 : i32
    %dma_wait3A_230 = tpu.memref_slice %arg4[%add3A_228, %dma_wait3A_229] : memref<32768x128xf32, #tpu.memory_space<hbm>> -> memref<128x128xf32, #tpu.memory_space<hbm>>
    %dma_wait3A_231 = arith.constant 0 : i32
    %dma_wait3A_232 = tpu.memref_slice %arg4[%add3A_228, %dma_wait3A_231] : memref<32768x128xf32, #tpu.memory_space<hbm>> -> memref<128x128xf32, #tpu.memory_space<hbm>>
    tpu.wait_dma2 semaphore(%arg16 : memref<!tpu.dma_semaphore, #tpu.memory_space<semaphore_mem>>) src(%arg6 : memref<128x128xf32, #tpu.memory_space<vmem>>) dst(%dma_wait3A_232 : memref<128x128xf32, #tpu.memory_space<hbm>>)
    %add3A_233 = arith.constant 768 : i32
    %add3A_234 = arith.addi %mul3A_34, %add3A_233 : i32
    %dma_wait3A_235 = arith.constant 0 : i32
    %dma_wait3A_236 = tpu.memref_slice %arg4[%add3A_234, %dma_wait3A_235] : memref<32768x128xf32, #tpu.memory_space<hbm>> -> memref<128x128xf32, #tpu.memory_space<hbm>>
    %dma_wait3A_237 = arith.constant 0 : i32
    %dma_wait3A_238 = tpu.memref_slice %arg4[%add3A_234, %dma_wait3A_237] : memref<32768x128xf32, #tpu.memory_space<hbm>> -> memref<128x128xf32, #tpu.memory_space<hbm>>
    tpu.wait_dma2 semaphore(%arg17 : memref<!tpu.dma_semaphore, #tpu.memory_space<semaphore_mem>>) src(%arg7 : memref<128x128xf32, #tpu.memory_space<vmem>>) dst(%dma_wait3A_238 : memref<128x128xf32, #tpu.memory_space<hbm>>)
    %add3A_239 = arith.constant 896 : i32
    %add3A_240 = arith.addi %mul3A_34, %add3A_239 : i32
    %dma_wait3A_241 = arith.constant 0 : i32
    %dma_wait3A_242 = tpu.memref_slice %arg4[%add3A_240, %dma_wait3A_241] : memref<32768x128xf32, #tpu.memory_space<hbm>> -> memref<128x128xf32, #tpu.memory_space<hbm>>
    %dma_wait3A_243 = arith.constant 0 : i32
    %dma_wait3A_244 = tpu.memref_slice %arg4[%add3A_240, %dma_wait3A_243] : memref<32768x128xf32, #tpu.memory_space<hbm>> -> memref<128x128xf32, #tpu.memory_space<hbm>>
    tpu.wait_dma2 semaphore(%arg18 : memref<!tpu.dma_semaphore, #tpu.memory_space<semaphore_mem>>) src(%arg8 : memref<128x128xf32, #tpu.memory_space<vmem>>) dst(%dma_wait3A_244 : memref<128x128xf32, #tpu.memory_space<hbm>>)
    return
  }
}

module attributes {stable_mosaic.version = 14 : i64} {
  func.func @_idx_body(%arg0: memref<4x8192xi32, #tpu.memory_space<vmem>>, %arg1: memref<4x8192xi32, #tpu.memory_space<vmem>>, %arg2: memref<4x8192xi32, #tpu.memory_space<vmem>>) attributes {dimension_semantics = [], scalar_prefetch = 0 : i64, scratch_operands = 0 : i64, tpu.core_type = #tpu.core_type<tc>} {
    %get3A = arith.constant 0 : index
    %get3A_0 = arith.constant 0 : index
    %get3A_1 = vector.load %arg0[%get3A, %get3A_0] : memref<4x8192xi32, #tpu.memory_space<vmem>>, vector<4x8192xi32>
    %get3A_2 = arith.constant 0 : index
    %get3A_3 = arith.constant 0 : index
    %get3A_4 = vector.load %arg1[%get3A_2, %get3A_3] : memref<4x8192xi32, #tpu.memory_space<vmem>>, vector<4x8192xi32>
    %ne3A = arith.constant 1 : i32
    %ne3A_5 = vector.broadcast %ne3A : i32 to vector<4x8192xi32>
    %ne3A_6 = arith.cmpi ne, %get3A_1, %ne3A_5 : vector<4x8192xi32>
    %convert_element_type3A = arith.extui %ne3A_6 : vector<4x8192xi1> to vector<4x8192xi32>
    %broadcast_in_dim3A = arith.constant 0 : i32
    %broadcast_in_dim3A_7 = vector.broadcast %broadcast_in_dim3A : i32 to vector<4x1xi32>
    %slice3A = vector.extract_strided_slice %convert_element_type3A {offsets = [0, 0], sizes = [4, 8191], strides = [1, 1]} : vector<4x8192xi32> to vector<4x8191xi32>
    %concatenate3A = tpu.concatenate %broadcast_in_dim3A_7, %slice3A in 1 : vector<4x1xi32>, vector<4x8191xi32> -> vector<4x8192xi32>
    %add3A = arith.addi %convert_element_type3A, %concatenate3A : vector<4x8192xi32>
    %broadcast_in_dim3A_8 = arith.constant 0 : i32
    %broadcast_in_dim3A_9 = vector.broadcast %broadcast_in_dim3A_8 : i32 to vector<4x2xi32>
    %slice3A_10 = vector.extract_strided_slice %add3A {offsets = [0, 0], sizes = [4, 8190], strides = [1, 1]} : vector<4x8192xi32> to vector<4x8190xi32>
    %concatenate3A_11 = tpu.concatenate %broadcast_in_dim3A_9, %slice3A_10 in 1 : vector<4x2xi32>, vector<4x8190xi32> -> vector<4x8192xi32>
    %add3A_12 = arith.addi %add3A, %concatenate3A_11 : vector<4x8192xi32>
    %broadcast_in_dim3A_13 = arith.constant 0 : i32
    %broadcast_in_dim3A_14 = vector.broadcast %broadcast_in_dim3A_13 : i32 to vector<4x4xi32>
    %slice3A_15 = vector.extract_strided_slice %add3A_12 {offsets = [0, 0], sizes = [4, 8188], strides = [1, 1]} : vector<4x8192xi32> to vector<4x8188xi32>
    %concatenate3A_16 = tpu.concatenate %broadcast_in_dim3A_14, %slice3A_15 in 1 : vector<4x4xi32>, vector<4x8188xi32> -> vector<4x8192xi32>
    %add3A_17 = arith.addi %add3A_12, %concatenate3A_16 : vector<4x8192xi32>
    %broadcast_in_dim3A_18 = arith.constant 0 : i32
    %broadcast_in_dim3A_19 = vector.broadcast %broadcast_in_dim3A_18 : i32 to vector<4x8xi32>
    %slice3A_20 = vector.extract_strided_slice %add3A_17 {offsets = [0, 0], sizes = [4, 8184], strides = [1, 1]} : vector<4x8192xi32> to vector<4x8184xi32>
    %concatenate3A_21 = tpu.concatenate %broadcast_in_dim3A_19, %slice3A_20 in 1 : vector<4x8xi32>, vector<4x8184xi32> -> vector<4x8192xi32>
    %add3A_22 = arith.addi %add3A_17, %concatenate3A_21 : vector<4x8192xi32>
    %broadcast_in_dim3A_23 = arith.constant 0 : i32
    %broadcast_in_dim3A_24 = vector.broadcast %broadcast_in_dim3A_23 : i32 to vector<4x16xi32>
    %slice3A_25 = vector.extract_strided_slice %add3A_22 {offsets = [0, 0], sizes = [4, 8176], strides = [1, 1]} : vector<4x8192xi32> to vector<4x8176xi32>
    %concatenate3A_26 = tpu.concatenate %broadcast_in_dim3A_24, %slice3A_25 in 1 : vector<4x16xi32>, vector<4x8176xi32> -> vector<4x8192xi32>
    %add3A_27 = arith.addi %add3A_22, %concatenate3A_26 : vector<4x8192xi32>
    %broadcast_in_dim3A_28 = arith.constant 0 : i32
    %broadcast_in_dim3A_29 = vector.broadcast %broadcast_in_dim3A_28 : i32 to vector<4x32xi32>
    %slice3A_30 = vector.extract_strided_slice %add3A_27 {offsets = [0, 0], sizes = [4, 8160], strides = [1, 1]} : vector<4x8192xi32> to vector<4x8160xi32>
    %concatenate3A_31 = tpu.concatenate %broadcast_in_dim3A_29, %slice3A_30 in 1 : vector<4x32xi32>, vector<4x8160xi32> -> vector<4x8192xi32>
    %add3A_32 = arith.addi %add3A_27, %concatenate3A_31 : vector<4x8192xi32>
    %broadcast_in_dim3A_33 = arith.constant 0 : i32
    %broadcast_in_dim3A_34 = vector.broadcast %broadcast_in_dim3A_33 : i32 to vector<4x64xi32>
    %slice3A_35 = vector.extract_strided_slice %add3A_32 {offsets = [0, 0], sizes = [4, 8128], strides = [1, 1]} : vector<4x8192xi32> to vector<4x8128xi32>
    %concatenate3A_36 = tpu.concatenate %broadcast_in_dim3A_34, %slice3A_35 in 1 : vector<4x64xi32>, vector<4x8128xi32> -> vector<4x8192xi32>
    %add3A_37 = arith.addi %add3A_32, %concatenate3A_36 : vector<4x8192xi32>
    %broadcast_in_dim3A_38 = arith.constant 0 : i32
    %broadcast_in_dim3A_39 = vector.broadcast %broadcast_in_dim3A_38 : i32 to vector<4x128xi32>
    %slice3A_40 = vector.extract_strided_slice %add3A_37 {offsets = [0, 0], sizes = [4, 8064], strides = [1, 1]} : vector<4x8192xi32> to vector<4x8064xi32>
    %concatenate3A_41 = tpu.concatenate %broadcast_in_dim3A_39, %slice3A_40 in 1 : vector<4x128xi32>, vector<4x8064xi32> -> vector<4x8192xi32>
    %add3A_42 = arith.addi %add3A_37, %concatenate3A_41 : vector<4x8192xi32>
    %broadcast_in_dim3A_43 = arith.constant 0 : i32
    %broadcast_in_dim3A_44 = vector.broadcast %broadcast_in_dim3A_43 : i32 to vector<4x256xi32>
    %slice3A_45 = vector.extract_strided_slice %add3A_42 {offsets = [0, 0], sizes = [4, 7936], strides = [1, 1]} : vector<4x8192xi32> to vector<4x7936xi32>
    %concatenate3A_46 = tpu.concatenate %broadcast_in_dim3A_44, %slice3A_45 in 1 : vector<4x256xi32>, vector<4x7936xi32> -> vector<4x8192xi32>
    %add3A_47 = arith.addi %add3A_42, %concatenate3A_46 : vector<4x8192xi32>
    %broadcast_in_dim3A_48 = arith.constant 0 : i32
    %broadcast_in_dim3A_49 = vector.broadcast %broadcast_in_dim3A_48 : i32 to vector<4x512xi32>
    %slice3A_50 = vector.extract_strided_slice %add3A_47 {offsets = [0, 0], sizes = [4, 7680], strides = [1, 1]} : vector<4x8192xi32> to vector<4x7680xi32>
    %concatenate3A_51 = tpu.concatenate %broadcast_in_dim3A_49, %slice3A_50 in 1 : vector<4x512xi32>, vector<4x7680xi32> -> vector<4x8192xi32>
    %add3A_52 = arith.addi %add3A_47, %concatenate3A_51 : vector<4x8192xi32>
    %broadcast_in_dim3A_53 = arith.constant 0 : i32
    %broadcast_in_dim3A_54 = vector.broadcast %broadcast_in_dim3A_53 : i32 to vector<4x1024xi32>
    %slice3A_55 = vector.extract_strided_slice %add3A_52 {offsets = [0, 0], sizes = [4, 7168], strides = [1, 1]} : vector<4x8192xi32> to vector<4x7168xi32>
    %concatenate3A_56 = tpu.concatenate %broadcast_in_dim3A_54, %slice3A_55 in 1 : vector<4x1024xi32>, vector<4x7168xi32> -> vector<4x8192xi32>
    %add3A_57 = arith.addi %add3A_52, %concatenate3A_56 : vector<4x8192xi32>
    %broadcast_in_dim3A_58 = arith.constant 0 : i32
    %broadcast_in_dim3A_59 = vector.broadcast %broadcast_in_dim3A_58 : i32 to vector<4x2048xi32>
    %slice3A_60 = vector.extract_strided_slice %add3A_57 {offsets = [0, 0], sizes = [4, 6144], strides = [1, 1]} : vector<4x8192xi32> to vector<4x6144xi32>
    %concatenate3A_61 = tpu.concatenate %broadcast_in_dim3A_59, %slice3A_60 in 1 : vector<4x2048xi32>, vector<4x6144xi32> -> vector<4x8192xi32>
    %add3A_62 = arith.addi %add3A_57, %concatenate3A_61 : vector<4x8192xi32>
    %broadcast_in_dim3A_63 = arith.constant 0 : i32
    %broadcast_in_dim3A_64 = vector.broadcast %broadcast_in_dim3A_63 : i32 to vector<4x4096xi32>
    %slice3A_65 = vector.extract_strided_slice %add3A_62 {offsets = [0, 0], sizes = [4, 4096], strides = [1, 1]} : vector<4x8192xi32> to vector<4x4096xi32>
    %concatenate3A_66 = tpu.concatenate %broadcast_in_dim3A_64, %slice3A_65 in 1 : vector<4x4096xi32>, vector<4x4096xi32> -> vector<4x8192xi32>
    %add3A_67 = arith.addi %add3A_62, %concatenate3A_66 : vector<4x8192xi32>
    %mul3A = arith.muli %add3A_67, %convert_element_type3A : vector<4x8192xi32>
    %add3A_68 = arith.constant 1 : i32
    %add3A_69 = vector.broadcast %add3A_68 : i32 to vector<4x8192xi32>
    %add3A_70 = arith.addi %mul3A, %add3A_69 : vector<4x8192xi32>
    %mul3A_71 = arith.constant 8192 : i32
    %mul3A_72 = vector.broadcast %mul3A_71 : i32 to vector<4x8192xi32>
    %mul3A_73 = arith.muli %mul3A_72, %get3A_4 : vector<4x8192xi32>
    %add3A_74 = arith.addi %add3A_70, %mul3A_73 : vector<4x8192xi32>
    %jit3A = arith.constant 1 : i32
    %broadcast_in_dim3A_75 = vector.broadcast %jit3A : i32 to vector<4x8192xi32>
    %select_n3A = arith.select %ne3A_6, %add3A_74, %broadcast_in_dim3A_75 : vector<4x8192xi1>, vector<4x8192xi32>
    %swap3A = arith.constant 0 : index
    %swap3A_76 = arith.constant 0 : index
    %swap3A_77 = vector.load %arg2[%swap3A, %swap3A_76] : memref<4x8192xi32, #tpu.memory_space<vmem>>, vector<4x8192xi32>
    tpu.vector_store %arg2[%swap3A, %swap3A_76], %select_n3A {strides = array<i32>} : memref<4x8192xi32, #tpu.memory_space<vmem>>, vector<4x8192xi32>,
    return
  }
}

</mosaic_0001>

<sc_bundles>
// kernel: kernel.4.cloned.1.call-start
scs
__scs_entry_jumppad:
0x0: {  	(pc) =	sbr.rel $0x88, $3  }
0x1: {  	(tag) =	ssettag $0x0;
	lr =	simm.s32 $0x1  }
0x2: {  	[smem:$0x3F9E] =	sst lr;
	_ =	strace $0xD0000000  }
0x3: {  	_ = 	snop  }
0x4: {  	_ = 	snop  }
0x5: {  	_ = 	snop  }
0x6: {  	_ = 	snop  }
0x7: {  	_ = 	snop  }
__scs_overlays_trampoline_lowered:
0x8: {  	[smem:$0x3FAD] =	sst s0  }
0x9: {  	[smem:$0x3FAE] =	sst s1  }
0xa: {  	[smem:$0x3FAF] =	sst s2  }
0xb: {  	[smem:$0x3FB0] =	sst s3  }
0xc: {  	[smem:$0x3FB1] =	sst s4  }
0xd: {  	[smem:$0x3FB2] =	sst s5  }
0xe: {  	[smem:$0x3FB3] =	sst s6  }
0xf: {  	[smem:$0x3FB4] =	sst s7  }
0x10: {  	[smem:$0x3FB5] =	sst s8  }
0x11: {  	[smem:$0x3FB6] =	sst s9;
	s0 =	simm.s32 @!p0 $0x0  }
0x12: {  	s1 =	sld [smem:$0x3F9C];
	s0 =	simm.s32 @p0 $0x1  }
0x13: {  	[smem:$0x3FB7] =	sst s0;
	s0 =	simm.s32 @!p1 $0x0  }
0x14: {  	s2 =	sld [smem:$0x3F9B];
	s0 =	simm.s32 @p1 $0x1  }
0x15: {  	[smem:$0x3FB8] =	sst s0;
	s0 =	simm.s32 @!p2 $0x0  }
0x16: {  	s3 =	sld [smem:$0x3FDB];
	s0 =	simm.s32 @p2 $0x1  }
0x17: {  	s4 =	simm.s32 $0x1BF5;
	[smem:$0x3FBA] =	sst s0  }
0x18: {  	s0 =	sld [smem:$0x3F9D];
	_ =	swait.ge [sflag:s4], $0x0  }
0x19: {  	s7 =	sld [smem:$0x3F9E]  }
0x1a: {  	s8 =	sadd.s32 $0xFFFFE003, lr  }
0x1b: {  	s9 =	sadd.s32 $0xFFFFFEF7, lr;
	s5 =	simm.s32 $0xFFFFFFFF;
	p2 =	slt.u32 s8, $0xFFFFF086  }
0x1c: {  	p1 =	slt.u32 s9, $0xF7A;
	s5 =	simm.s32 @!p2 $0x0  }
0x1d: {  	s5 =	simm.s32 @p1 $0x1;
	p0 =	seq.s32 s7, s2  }
0x1e: {  	s7 =	smul.u32 @!p0 $0xF7A, s2;
	p2 =	seq.s32 @!p0 s5, $0x0  }
0x1f: {  	s9 =	smul.u32 $0xF7A, s1;
	s8 =	simm.s32 @!p0 $0x1BF5;
	p2 =	por !p2, p0  }
0x20: {  	[sflag:s8] =	ssyncset.s32 @!p0 $0xFFFFF086;
	s6 =	sadd.s32 @!p0 s3, s7;
	s7 =	simm.s32 @!p0 $0x108  }
0x21: {  	s3 =	sadd.s32 s3, s9;
	s6 =	sadd.s32 @!p0 $0x88, s6;
	s7 =	simm.s32 @p2 $0x1082  }
0x22: {  	[simem:s7], [sflag:s8] =	dma.local @!p0 [hbm:s6], $0xF7A  }
0x23: {  	s9 =	sor.u32 $0xD0000000, s2;
	s6 =	simm.s32 $0x108;
	_ =	swait.ge @!p0 [sflag:s8], $0x0  }
0x24: {  	s3 =	sadd.s32 $0x88, s3;
	s6 =	simm.s32 @!p1 $0x1082;
	[sflag:s4] =	ssyncset.s32 $0xFFFFF086  }
0x25: {  	[simem:s6], [sflag:s4] =	dma.local [hbm:s3], $0xF7A  }
0x26: {  	[smem:$0x3F9E] =	sst s1;
	(tag) =	ssettag s2;
	_ =	strace s9  }
0x27: {  	s1 =	sld [smem:$0x3FAE]  }
0x28: {  	s2 =	sld [smem:$0x3FAF]  }
0x29: {  	s4 =	sld [smem:$0x3FB1]  }
0x2a: {  	p0 =	seq.s32 s5, $0x0;
	s5 =	sld [smem:$0x3FB2]  }
0x2b: {  	s6 =	sld [smem:$0x3FB3]  }
0x2c: {  	s7 =	sld [smem:$0x3FB4]  }
0x2d: {  	s3 =	simm.s32 $0x108;
	s8 =	sld [smem:$0x3FB5]  }
0x2e: {  	s3 =	simm.s32 @!p0 $0x1082;
	s9 =	sld [smem:$0x3FB6]  }
0x2f: {  	lr =	sadd.s32 s0, s3;
	s0 =	sld [smem:$0x3FAD]  }
0x30: {  	s3 =	sld [smem:$0x3FB0]  }
0x31: {  	[smem:$0x3FB9] =	sst s10  }
0x32: {  	s10 =	sld [smem:$0x3FB7];
	_ =	sdelay $0x3  }
0x33: {  	p0 =	seq.s32 s10, $0x1;
	s10 =	sld [smem:$0x3FB9];
	_ =	sdelay $0x3  }
0x34: {  	[smem:$0x3FB9] =	sst s10  }
0x35: {  	s10 =	sld [smem:$0x3FB8];
	_ =	sdelay $0x3  }
0x36: {  	p1 =	seq.s32 s10, $0x1;
	s10 =	sld [smem:$0x3FB9];
	_ =	sdelay $0x3  }
0x37: {  	[smem:$0x3FB9] =	sst s10  }
0x38: {  	s10 =	sld [smem:$0x3FBA]  }
0x39: {  	_ = 	snop;
	(pc) =	sbr.ind lr, $3  }
0x3a: {  	_ = 	snop  }
0x3b: {  	_ = 	snop  }
0x3c: {  	p2 =	seq.s32 s10, $0x1;
	s10 =	sld [smem:$0x3FB9]  }
0x3d: {  	_ =	shalt  }
0x3e: {  	_ =	shalt  }
0x3f: {  	_ =	shalt  }
0x40: {  	_ =	shalt  }
0x41: {  	_ =	shalt  }
0x42: {  	_ =	shalt  }
0x43: {  	_ =	shalt  }
0x44: {  	_ =	shalt  }
0x45: {  	_ =	shalt  }
0x46: {  	_ =	shalt  }
0x47: {  	_ =	shalt  }
0x48: {  	_ =	shalt  }
0x49: {  	_ =	shalt  }
0x4a: {  	_ =	shalt  }
0x4b: {  	_ =	shalt  }
0x4c: {  	_ =	shalt  }
0x4d: {  	_ =	shalt  }
0x4e: {  	_ =	shalt  }
0x4f: {  	_ =	shalt  }
0x50: {  	_ =	shalt  }
0x51: {  	_ =	shalt  }
0x52: {  	_ =	shalt  }
0x53: {  	_ =	shalt  }
0x54: {  	_ =	shalt  }
0x55: {  	_ =	shalt  }
0x56: {  	_ =	shalt  }
0x57: {  	_ =	shalt  }
0x58: {  	_ =	shalt  }
0x59: {  	_ =	shalt  }
0x5a: {  	_ =	shalt  }
0x5b: {  	_ =	shalt  }
0x5c: {  	_ =	shalt  }
0x5d: {  	_ =	shalt  }
0x5e: {  	_ =	shalt  }
0x5f: {  	_ =	shalt  }
0x60: {  	_ =	shalt  }
0x61: {  	_ =	shalt  }
0x62: {  	_ =	shalt  }
0x63: {  	_ =	shalt  }
0x64: {  	_ =	shalt  }
0x65: {  	_ =	shalt  }
0x66: {  	_ =	shalt  }
0x67: {  	_ =	shalt  }
0x68: {  	_ =	shalt  }
0x69: {  	_ =	shalt  }
0x6a: {  	_ =	shalt  }
0x6b: {  	_ =	shalt  }
0x6c: {  	_ =	shalt  }
0x6d: {  	_ =	shalt  }
0x6e: {  	_ =	shalt  }
0x6f: {  	_ =	shalt  }
0x70: {  	_ =	shalt  }
0x71: {  	_ =	shalt  }
0x72: {  	_ =	shalt  }
0x73: {  	_ =	shalt  }
0x74: {  	_ =	shalt  }
0x75: {  	_ =	shalt  }
0x76: {  	_ =	shalt  }
0x77: {  	_ =	shalt  }
0x78: {  	_ =	shalt  }
0x79: {  	_ =	shalt  }
0x7a: {  	_ =	shalt  }
0x7b: {  	_ =	shalt  }
0x7c: {  	_ =	shalt  }
0x7d: {  	_ =	shalt  }
0x7e: {  	_ =	shalt  }
0x7f: {  	_ =	shalt  }
0x80: {  	_ =	shalt  }
0x81: {  	_ =	shalt  }
0x82: {  	_ =	shalt  }
0x83: {  	_ =	shalt  }
0x84: {  	_ =	shalt  }
0x85: {  	_ =	shalt  }
0x86: {  	_ =	shalt  }
0x87: {  	_ =	shalt  }
.Lfunc_end0:
.L_simem_size_0:
called_computation_lowered:
.L_overlay_start_0:
0x88: {  	s2 =	sld [smem:$0x3FD9]  }
0x89: {  	s3 =	sld [smem:$0x3FFE];
	_ =	sdelay $0x1  }
0x8a: {  	s1 =	srdreg.scid  }
0x8b: {  	s0 =	sand.u32 $0x1, s1  }
0x8c: {  	s17 =	sshll.u32 s0, $0xA;
	s2 =	sadd.s32 s3, s2  }
0x8d: {  	s2 =	sadd.s32 s2, s17  }
0x8e: {  	[smem:$0x3FC5] =	sst s2  }
0x8f: {  	_ = 	snop  }
0x90: {  	s2 =	sld [smem:$0x3FC7]  }
0x91: {  	s18 =	sld [smem:$0x3FD0];
	(tm) =	ssettm $0x1  }
0x92: {  	s4 =	sld [smem:$0x3FFB];
	_ =	sdelay $0x3  }
0x93: {  	_ =	strace s4  }
0x94: {  	s4 =	sld [smem:$0x3FFC];
	_ =	sdelay $0x3  }
0x95: {  	_ =	strace s4  }
0x96: {  	s4 =	sld [smem:$0x3FFD];
	_ =	sdelay $0x3  }
0x97: {  	_ =	strace s4  }
0x98: {  	_ =	strace $0x8FFFFFFF  }
0x99: {  	s19 =	sld [smem:$0x3FDB];
	_ =	sdelay $0x1  }
0x9a: {  	s5 =	simm.s32 $_scs_section_size  }
0x9b: {  	s6 =	simm.s32 $_size__tile_overlayer_lowered;
	s7 =	simm.s32 $_tile_overlayer_lowered  }
0x9c: {  	s22 =	simm.s32 $0x1BFF;
	s21 =	sshll.u32 s7, $0x1;
	s4 =	sadd.s32 s5, s19  }
0x9d: {  	s8 =	simm.s32 $0x0;
	s20 =	sshll.u32 s6, $0x1;
	s6 =	sadd.s32 s21, s4  }
0x9e: {  	[timem:s8], [sflag:s22] =	dma.local [hbm:s6], s20  }
0x9f: {  	_ =	swait.ge [sflag:s22], s20  }
0xa0: {  	s5 =	ssub.s32 $0x0, s20;
	[sflag:s22] =	ssyncset.done $0x0  }
0xa1: {  	[sflag:s22] =	ssyncadd.s32 s5;
	_ =	sdelay $0x1  }
0xa2: {  	s23 =	simm.s32 $0x1B8B  }
0xa3: {  	_ =	swait.ge [sflag:s23], $0x1  }
0xa4: {  	[sflag:s23] =	ssyncset.done $0x0  }
0xa5: {  	s25 =	simm.s32 $0x1B8E;
	s24 =	sld [smem:$0x3FFE];
	[sflag:s23] =	ssyncadd.s32 $0xFFFFFFFF  }
0xa6: {  	s26 =	simm.s32 $execute0_lowered;
	[smem:$0x3FD2] =	sst s25  }
0xa7: {  	s6 =	sshll.u32 s26, $0x1;
	_ =	strace $0x80000046;
	[dreg:$0x1] =	wrdreg $0xFFFFFFFF  }
0xa8: {  	s28 =	simm.s32 $_size_execute0_lowered;
	s4 =	sadd.s32 s4, s6;
	[dreg:$0x0] =	wrdreg $0x0  }
0xa9: {  	s6 =	sshll.u32 s28, $0x1;
	[dreg:$0x2] =	wrdreg s4  }
0xaa: {  	[dreg:$0x3] =	wrdreg s6  }
0xab: {  	[dreg:$0x4] =	wrdreg $0xC0  }
0xac: {  	_ =	task [dreg:s8], $0x5FFFF  }
0xad: {  	[dreg:$0x1] =	wrdreg $0xFFFFFFFF  }
0xae: {  	[dreg:$0x0] =	wrdreg $0x60  }
0xaf: {  	[dreg:$0x2] =	wrdreg s2  }
0xb0: {  	[dreg:$0x3] =	wrdreg s24  }
0xb1: {  	[dreg:$0x4] =	wrdreg s18  }
0xb2: {  	[dreg:$0x5] =	wrdreg $0x9  }
0xb3: {  	_ =	task.clear_ibuf [dreg:s8], $0x6FFFF;
	_ =	strace $0x90000046  }
0xb4: {  	s29 =	simm.s32 $0x9;
	_ =	strace $0x80000048  }
0xb5: {  	_ =	swait.ge [sflag:s29], $0x1  }
0xb6: {  	[sflag:s29] =	ssyncadd.s32 $0xFFFFFFFF  }
0xb7: {  	_ =	strace $0x90000048  }
0xb8: {  	_ =	sfence  }
0xb9: {  	s30 =	sld [smem:$0x0];
	_ =	sdelay $0x2  }
0xba: {  	s31 =	sshll.u32 s1, $0xD;
	s1 =	sshrl.u32 s1, $0x2  }
0xbb: {  	s3 =	sand.u32 $0x4000, s31;
	s1 =	sadd.s32 s1, s30  }
0xbc: {  	s0 =	sor.u32 s3, s0;
	s1 =	sshll.u32 s1, $0x11  }
0xbd: {  	s0 =	sor.u32 s1, s0  }
0xbe: {  	s0 =	sadd.s32 $0x8F2B, s0  }
0xbf: {  	[sflag:s0] =	ssyncadd.remote.s32 $0x1  }
0xc0: {  	_ =	sfence.sel $0xFFFF  }
0xc1: {  	[dreg:$0x0] =	wrdreg $0xFFFFFFFF;
	(pc) =	sbr.abs _section_cstart, $3  }
0xc2: {  	[dreg:$0x1] =	wrdreg $0xFFFFFFFF  }
0xc3: {  	_ =	task.clear_ibuf [dreg:s8], $0x2FFFF;
	_ =	strace $0x9FFFFFFF  }
0xc4: {  	(tm) =	ssettm $0x7FFFFFFF  }
0xc5: {  	_ =	shalt  }
tec
execute0_lowered:
.L_overlay_start_1:
0x0: {  	(tag) =	ssettag $0x1  }
0x1: {  	s0 =	srdreg.scid;
	s3 =	rddreg [dreg:$0x0]  }
0x2: {  	s23 =	stileid.u32;
	s4 =	rddreg [dreg:$0x1]  }
0x3: {  	s6 =	rddreg [dreg:$0x2];
	s15 =	simm.s32 $0x80;
	s29 =	simm.s32 $0xB  }
0x4: {  	s12 =	simm.s32 $0x400;
	s11 =	simm.s32 $0x4400;
	s9 =	simm.s32 $0x8400  }
0x5: {  	s31 =	simm.s32 $0x180;
	s21 =	simm.s32 $0xC400;
	s16 =	simm.s32 $0x1  }
0x6: {  	s19 =	simm.s32 $0x10400;
	s14 =	simm.s32 $0x2;
	s30 =	simm.s32 $0x280  }
0x7: {  	s13 =	simm.s32 $0x3;
	s7 =	simm.s32 $0x7;
	s28 =	simm.s32 $0x300  }
0x8: {  	p0 =	por $0x0, $0x0;
	s10 =	simm.s32 $0x8;
	s18 =	simm.s32 $0x9  }
0x9: {  	s17 =	simm.s32 $0xA;
	s0 =	sand.u32 $0x1, s0;
	s1 =	sshll.u32 s23, $0x1  }
0xa: {  	s5 =	sshll.u32 s23, $0x2;
	s1 =	sor.u32 s0, s1;
	s0 =	ssub.s32 $0x2, s0  }
0xb: {  	s2 =	sshll.u32 s1, $0x9;
	s1 =	sshll.u32 s1, $0xE;
	s25 =	sshrl.u32 s0, $0x1  }
0xc: {  	s5 =	sor.u32 s5, s2;
	s2 =	simm.s32 $0x0;
	s20 =	sadd.s32 s6, s1  }
0xd: {  	s0 =	ssub.s32 s0, s25;
	s6 =	simm.s32 $0x6;
	s25 =	simm.s32 $0x4  }
0xe: {  	s5 =	sand.u32 $0xE30, s5;
	[smem:$0x7FF] =	sst s2;
	s1 =	sadd.s32 $0x800, s20  }
0xf: {  	s22 =	sadd.s32 $0x1000, s20;
	s24 =	sadd.s32 $0x1800, s20;
	s26 =	sadd.s32 $0x2000, s20  }
0x10: {  	s0 =	smax.u32 s0, $0x1;
	_ =	strace $0x80000047;
	[dreg:$0x6] =	wrdreg s1  }
0x11: {  	s8 =	sadd.s32 $0x2800, s20;
	[dreg:$0x7] =	wrdreg s22;
	p1 =	sne.s32 s0, $0x1  }
.Ltmp0:
0x12: {  	s4 =	sadd.s32 s5, s4;
	[dreg:$0x8] =	wrdreg s24;
	(pc) =	sbr.rel @!p1 .LBB2_1-.Ltmp0, $4  }
0x13: {  	[dreg:$0x9] =	wrdreg s26;
	s26 =	simm.s32 $0x200;
	s5 =	sadd.s32 $0xA00, s4  }
0x14: {  	s1 =	sadd.s32 $0xFFFFFFFF, s0;
	s4 =	sadd.s32 $0xB00, s4;
	[dreg:$0x4] =	wrdreg s5  }
0x15: {  	s24 =	simm.s32 $0x380;
	s22 =	simm.s32 $0x5;
	[dreg:$0x5] =	wrdreg s4  }
0x16: {  	s5 =	sadd.s32 $0x3000, s20;
	s4 =	sadd.s32 $0x3800, s20;
	s0 =	rddreg [dreg:$0x4]  }
0x17: {  	[tilespmem:s2], [sflag:$0xB] =	stream.strided.gather [hbm4b:s0+s15], $0x200, s26, s15, $0x38;
	[tilespmem:$0x14400] =	vst v63  }
0x18: {  	s23 =	smov.u32 s1;
	s1 =	rddreg [dreg:$0x5]  }
0x19: {  	[tilespmem:s26], [sflag:$0xB] =	stream.strided.gather [hbm4b:s1+s15], $0x200, s26, s15, $0x38;
	[tilespmem:$0x14400] =	vst v63  }
0x1a: {  	_ =	swait.ge [sflag:s29], $0x200  }
0x1b: {  	[sflag:s29] =	ssyncset.done $0x0  }
0x1c: {  	[sflag:s29] =	ssyncadd.s32 $0xFFFFFE00  }
0x1d: {  	[tilespmem:s12], [sflag:$0x1] =	stream.indirect.gather [hbm4b:s3+s15], $0x80, s2, s15, $0xb8;
	[tilespmem:$0x14400] =	vst v63  }
0x1e: {  	_ = 	snop  }
0x1f: {  	[tilespmem:s11], [sflag:$0x2] =	stream.indirect.gather [hbm4b:s3+s15], $0x80, s15, s15, $0xb8;
	[tilespmem:$0x14400] =	vst v63  }
0x20: {  	s1 =	simm.s32 $0x100  }
0x21: {  	[tilespmem:s9], [sflag:$0x3] =	stream.indirect.gather [hbm4b:s3+s15], $0x80, s1, s15, $0xb8;
	[tilespmem:$0x14400] =	vst v63  }
0x22: {  	_ = 	snop  }
0x23: {  	[tilespmem:s21], [sflag:$0x4] =	stream.indirect.gather [hbm4b:s3+s15], $0x80, s31, s15, $0xb8;
	[tilespmem:$0x14400] =	vst v63  }
0x24: {  	_ =	swait.ge [sflag:s29], $0x200  }
0x25: {  	[sflag:s29] =	ssyncset.done $0x0  }
0x26: {  	[sflag:s29] =	ssyncadd.s32 $0xFFFFFE00  }
0x27: {  	_ =	swait.ge [sflag:s16], $0x4000  }
0x28: {  	[sflag:s16] =	ssyncset.done $0x0  }
0x29: {  	[sflag:s16] =	ssyncadd.s32 $0xFFFFC000  }
0x2a: {  	[hbm4b:s20+s2] =	stream.linear.scatter [tilespmem:s12], [sflag:$0x6], $0x4000, $0x38;
	[tilespmem:$0x14400] =	vst v63  }
0x2b: {  	_ = 	snop  }
0x2c: {  	[tilespmem:s19], [sflag:$0x5] =	stream.indirect.gather [hbm4b:s3+s15], $0x80, s26, s15, $0xb8;
	[tilespmem:$0x14400] =	vst v63  }
0x2d: {  	_ =	swait.ge [sflag:s14], $0x4000  }
0x2e: {  	[sflag:s14] =	ssyncset.done $0x0  }
0x2f: {  	s1 =	rddreg [dreg:$0x6];
	[sflag:s14] =	ssyncadd.s32 $0xFFFFC000  }
0x30: {  	[hbm4b:s1+s2] =	stream.linear.scatter [tilespmem:s11], [sflag:$0x7], $0x4000, $0x38;
	[tilespmem:$0x14400] =	vst v63  }
0x31: {  	_ =	swait.ge [sflag:s6], $0x4000  }
0x32: {  	[sflag:s6] =	ssyncset.done $0x0  }
0x33: {  	[sflag:s6] =	ssyncadd.s32 $0xFFFFC000  }
0x34: {  	[tilespmem:s12], [sflag:$0x1] =	stream.indirect.gather [hbm4b:s3+s15], $0x80, s30, s15, $0xb8;
	[tilespmem:$0x14400] =	vst v63  }
0x35: {  	_ =	swait.ge [sflag:s13], $0x4000  }
0x36: {  	[sflag:s13] =	ssyncset.done $0x0  }
0x37: {  	s1 =	rddreg [dreg:$0x7];
	[sflag:s13] =	ssyncadd.s32 $0xFFFFC000  }
0x38: {  	[hbm4b:s1+s2] =	stream.linear.scatter [tilespmem:s9], [sflag:$0x8], $0x4000, $0x38;
	[tilespmem:$0x14400] =	vst v63  }
0x39: {  	_ =	swait.ge [sflag:s7], $0x4000  }
0x3a: {  	[sflag:s7] =	ssyncset.done $0x0  }
0x3b: {  	[sflag:s7] =	ssyncadd.s32 $0xFFFFC000  }
0x3c: {  	[tilespmem:s11], [sflag:$0x2] =	stream.indirect.gather [hbm4b:s3+s15], $0x80, s28, s15, $0xb8;
	[tilespmem:$0x14400] =	vst v63  }
0x3d: {  	_ =	swait.ge [sflag:s25], $0x4000  }
0x3e: {  	[sflag:s25] =	ssyncset.done $0x0  }
0x3f: {  	s1 =	rddreg [dreg:$0x8];
	[sflag:s25] =	ssyncadd.s32 $0xFFFFC000  }
0x40: {  	[hbm4b:s1+s2] =	stream.linear.scatter [tilespmem:s21], [sflag:$0x9], $0x4000, $0x38;
	[tilespmem:$0x14400] =	vst v63  }
0x41: {  	_ =	swait.ge [sflag:s10], $0x4000  }
0x42: {  	[sflag:s10] =	ssyncset.done $0x0  }
0x43: {  	[sflag:s10] =	ssyncadd.s32 $0xFFFFC000  }
0x44: {  	[tilespmem:s9], [sflag:$0x3] =	stream.indirect.gather [hbm4b:s3+s15], $0x80, s24, s15, $0xb8;
	[tilespmem:$0x14400] =	vst v63  }
0x45: {  	_ =	swait.ge [sflag:s22], $0x4000  }
0x46: {  	[sflag:s22] =	ssyncset.done $0x0  }
0x47: {  	s1 =	rddreg [dreg:$0x9];
	[sflag:s22] =	ssyncadd.s32 $0xFFFFC000  }
0x48: {  	[hbm4b:s1+s2] =	stream.linear.scatter [tilespmem:s19], [sflag:$0xA], $0x4000, $0x38;
	[tilespmem:$0x14400] =	vst v63  }
0x49: {  	_ =	swait.ge [sflag:s16], $0x4000  }
0x4a: {  	[sflag:s16] =	ssyncset.done $0x0  }
0x4b: {  	[sflag:s16] =	ssyncadd.s32 $0xFFFFC000  }
0x4c: {  	[hbm4b:s8+s2] =	stream.linear.scatter [tilespmem:s12], [sflag:$0x6], $0x4000, $0x38;
	[tilespmem:$0x14400] =	vst v63  }
0x4d: {  	_ =	swait.ge [sflag:s14], $0x4000  }
0x4e: {  	[sflag:s14] =	ssyncset.done $0x0  }
0x4f: {  	[sflag:s14] =	ssyncadd.s32 $0xFFFFC000  }
0x50: {  	[hbm4b:s5+s2] =	stream.linear.scatter [tilespmem:s11], [sflag:$0x7], $0x4000, $0x38;
	[tilespmem:$0x14400] =	vst v63  }
0x51: {  	_ =	swait.ge [sflag:s13], $0x4000  }
0x52: {  	[sflag:s13] =	ssyncset.done $0x0  }
0x53: {  	[sflag:s13] =	ssyncadd.s32 $0xFFFFC000  }
0x54: {  	[hbm4b:s4+s2] =	stream.linear.scatter [tilespmem:s9], [sflag:$0x8], $0x4000, $0x38;
	[tilespmem:$0x14400] =	vst v63  }
0x55: {  	_ =	swait.ge [sflag:s18], $0x4000  }
0x56: {  	[sflag:s18] =	ssyncset.done $0x0  }
0x57: {  	[sflag:s18] =	ssyncadd.s32 $0xFFFFC000  }
0x58: {  	_ =	swait.ge [sflag:s17], $0x4000  }
0x59: {  	[sflag:s17] =	ssyncset.done $0x0  }
0x5a: {  	[sflag:s17] =	ssyncadd.s32 $0xFFFFC000  }
0x5b: {  	_ =	swait.ge [sflag:s6], $0x4000  }
0x5c: {  	[sflag:s6] =	ssyncset.done $0x0  }
0x5d: {  	p1 =	sne.s32 s23, $0x1;
	[sflag:s6] =	ssyncadd.s32 $0xFFFFC000  }
.Ltmp1:
0x5e: {  	_ =	swait.ge [sflag:s7], $0x4000;
	(pc) =	sbr.rel @!p1 .LBB2_3-.Ltmp1, $4  }
0x5f: {  	[sflag:s7] =	ssyncset.done $0x0  }
0x60: {  	[sflag:s7] =	ssyncadd.s32 $0xFFFFC000  }
0x61: {  	p0 =	por $0x1, $0x1;
	_ =	swait.ge [sflag:s10], $0x4000  }
0x62: {  	s1 =	sadd.s32 $0xFFFFFFFF, s23;
	s0 =	rddreg [dreg:$0x4];
	[sflag:s10] =	ssyncset.done $0x0  }
.LBB2_4:
0x63: {  	[sflag:s10] =	ssyncadd.s32 $0xFFFFC000  }
0x64: {  	[tilespmem:s2], [sflag:$0xB] =	stream.strided.gather [hbm4b:s0+s15], $0x200, s26, s15, $0x38;
	[tilespmem:$0x14400] =	vst v63  }
0x65: {  	s23 =	rddreg [dreg:$0x5]  }
0x66: {  	[tilespmem:s26], [sflag:$0xB] =	stream.strided.gather [hbm4b:s23+s15], $0x200, s26, s15, $0x38;
	[tilespmem:$0x14400] =	vst v63  }
0x67: {  	_ =	swait.ge [sflag:s29], $0x200  }
0x68: {  	[sflag:s29] =	ssyncset.done $0x0  }
0x69: {  	[sflag:s29] =	ssyncadd.s32 $0xFFFFFE00  }
0x6a: {  	[tilespmem:s12], [sflag:$0x1] =	stream.indirect.gather [hbm4b:s3+s15], $0x80, s2, s15, $0xb8;
	[tilespmem:$0x14400] =	vst v63  }
0x6b: {  	_ = 	snop  }
0x6c: {  	[tilespmem:s11], [sflag:$0x2] =	stream.indirect.gather [hbm4b:s3+s15], $0x80, s15, s15, $0xb8;
	[tilespmem:$0x14400] =	vst v63  }
0x6d: {  	s23 =	simm.s32 $0x100  }
0x6e: {  	[tilespmem:s9], [sflag:$0x3] =	stream.indirect.gather [hbm4b:s3+s15], $0x80, s23, s15, $0xb8;
	[tilespmem:$0x14400] =	vst v63  }
0x6f: {  	_ = 	snop  }
0x70: {  	[tilespmem:s21], [sflag:$0x4] =	stream.indirect.gather [hbm4b:s3+s15], $0x80, s31, s15, $0xb8;
	[tilespmem:$0x14400] =	vst v63  }
0x71: {  	_ =	swait.ge [sflag:s29], $0x200  }
0x72: {  	[sflag:s29] =	ssyncset.done $0x0  }
0x73: {  	[sflag:s29] =	ssyncadd.s32 $0xFFFFFE00  }
0x74: {  	_ =	swait.ge [sflag:s16], $0x4000  }
0x75: {  	[sflag:s16] =	ssyncset.done $0x0  }
0x76: {  	[sflag:s16] =	ssyncadd.s32 $0xFFFFC000  }
0x77: {  	[hbm4b:s20+s2] =	stream.linear.scatter [tilespmem:s12], [sflag:$0x6], $0x4000, $0x38;
	[tilespmem:$0x14400] =	vst v63  }
0x78: {  	_ = 	snop  }
0x79: {  	[tilespmem:s19], [sflag:$0x5] =	stream.indirect.gather [hbm4b:s3+s15], $0x80, s26, s15, $0xb8;
	[tilespmem:$0x14400] =	vst v63  }
0x7a: {  	_ =	swait.ge [sflag:s14], $0x4000  }
0x7b: {  	[sflag:s14] =	ssyncset.done $0x0  }
0x7c: {  	s23 =	rddreg [dreg:$0x6];
	[sflag:s14] =	ssyncadd.s32 $0xFFFFC000  }
0x7d: {  	[hbm4b:s23+s2] =	stream.linear.scatter [tilespmem:s11], [sflag:$0x7], $0x4000, $0x38;
	[tilespmem:$0x14400] =	vst v63  }
0x7e: {  	_ =	swait.ge [sflag:s6], $0x4000  }
0x7f: {  	[sflag:s6] =	ssyncset.done $0x0  }
0x80: {  	[sflag:s6] =	ssyncadd.s32 $0xFFFFC000  }
0x81: {  	[tilespmem:s12], [sflag:$0x1] =	stream.indirect.gather [hbm4b:s3+s15], $0x80, s30, s15, $0xb8;
	[tilespmem:$0x14400] =	vst v63  }
0x82: {  	_ =	swait.ge [sflag:s13], $0x4000  }
0x83: {  	[sflag:s13] =	ssyncset.done $0x0  }
0x84: {  	s23 =	rddreg [dreg:$0x7];
	[sflag:s13] =	ssyncadd.s32 $0xFFFFC000  }
0x85: {  	[hbm4b:s23+s2] =	stream.linear.scatter [tilespmem:s9], [sflag:$0x8], $0x4000, $0x38;
	[tilespmem:$0x14400] =	vst v63  }
0x86: {  	_ =	swait.ge [sflag:s7], $0x4000  }
0x87: {  	[sflag:s7] =	ssyncset.done $0x0  }
0x88: {  	[sflag:s7] =	ssyncadd.s32 $0xFFFFC000  }
0x89: {  	[tilespmem:s11], [sflag:$0x2] =	stream.indirect.gather [hbm4b:s3+s15], $0x80, s28, s15, $0xb8;
	[tilespmem:$0x14400] =	vst v63  }
0x8a: {  	_ =	swait.ge [sflag:s25], $0x4000  }
0x8b: {  	[sflag:s25] =	ssyncset.done $0x0  }
0x8c: {  	s23 =	rddreg [dreg:$0x8];
	[sflag:s25] =	ssyncadd.s32 $0xFFFFC000  }
0x8d: {  	[hbm4b:s23+s2] =	stream.linear.scatter [tilespmem:s21], [sflag:$0x9], $0x4000, $0x38;
	[tilespmem:$0x14400] =	vst v63  }
0x8e: {  	_ =	swait.ge [sflag:s10], $0x4000  }
0x8f: {  	[sflag:s10] =	ssyncset.done $0x0  }
0x90: {  	[sflag:s10] =	ssyncadd.s32 $0xFFFFC000  }
0x91: {  	[tilespmem:s9], [sflag:$0x3] =	stream.indirect.gather [hbm4b:s3+s15], $0x80, s24, s15, $0xb8;
	[tilespmem:$0x14400] =	vst v63  }
0x92: {  	_ =	swait.ge [sflag:s22], $0x4000  }
0x93: {  	[sflag:s22] =	ssyncset.done $0x0  }
0x94: {  	s23 =	rddreg [dreg:$0x9];
	[sflag:s22] =	ssyncadd.s32 $0xFFFFC000  }
0x95: {  	[hbm4b:s23+s2] =	stream.linear.scatter [tilespmem:s19], [sflag:$0xA], $0x4000, $0x38;
	[tilespmem:$0x14400] =	vst v63  }
0x96: {  	_ =	swait.ge [sflag:s16], $0x4000  }
0x97: {  	[sflag:s16] =	ssyncset.done $0x0  }
0x98: {  	[sflag:s16] =	ssyncadd.s32 $0xFFFFC000  }
0x99: {  	[hbm4b:s8+s2] =	stream.linear.scatter [tilespmem:s12], [sflag:$0x6], $0x4000, $0x38;
	[tilespmem:$0x14400] =	vst v63  }
0x9a: {  	_ =	swait.ge [sflag:s14], $0x4000  }
0x9b: {  	[sflag:s14] =	ssyncset.done $0x0  }
0x9c: {  	[sflag:s14] =	ssyncadd.s32 $0xFFFFC000  }
0x9d: {  	[hbm4b:s5+s2] =	stream.linear.scatter [tilespmem:s11], [sflag:$0x7], $0x4000, $0x38;
	[tilespmem:$0x14400] =	vst v63  }
0x9e: {  	_ =	swait.ge [sflag:s13], $0x4000  }
0x9f: {  	[sflag:s13] =	ssyncset.done $0x0  }
0xa0: {  	[sflag:s13] =	ssyncadd.s32 $0xFFFFC000  }
0xa1: {  	[hbm4b:s4+s2] =	stream.linear.scatter [tilespmem:s9], [sflag:$0x8], $0x4000, $0x38;
	[tilespmem:$0x14400] =	vst v63  }
0xa2: {  	_ =	swait.ge [sflag:s18], $0x4000  }
0xa3: {  	[sflag:s18] =	ssyncset.done $0x0  }
0xa4: {  	[sflag:s18] =	ssyncadd.s32 $0xFFFFC000  }
0xa5: {  	_ =	swait.ge [sflag:s17], $0x4000  }
0xa6: {  	[sflag:s17] =	ssyncset.done $0x0  }
0xa7: {  	[sflag:s17] =	ssyncadd.s32 $0xFFFFC000  }
0xa8: {  	_ =	swait.ge [sflag:s6], $0x4000  }
0xa9: {  	[sflag:s6] =	ssyncset.done $0x0  }
0xaa: {  	p1 =	sne.s32 s1, $0x1;
	[sflag:s6] =	ssyncadd.s32 $0xFFFFC000  }
.Ltmp2:
0xab: {  	_ =	swait.ge [sflag:s7], $0x4000;
	(pc) =	sbr.rel @p1 .LBB2_4-.Ltmp2, $4  }
0xac: {  	[sflag:s7] =	ssyncset.done $0x0  }
0xad: {  	[sflag:s7] =	ssyncadd.s32 $0xFFFFC000  }
0xae: {  	_ =	swait.ge [sflag:s10], $0x4000  }
0xaf: {  	s1 =	sadd.s32 $0xFFFFFFFF, s1;
	s0 =	rddreg [dreg:$0x4];
	[sflag:s10] =	ssyncset.done $0x0  }
0xb0: {  	s24 =	simm.s32 $0x180;
	s31 =	simm.s32 $0x100  }
0xb1: {  	s30 =	simm.s32 $0x280;
	s28 =	simm.s32 $0x300;
	s23 =	stileid.u32  }
.LBB2_6:
0xb2: {  	[sflag:s10] =	ssyncadd.s32 @p0 $0xFFFFC000  }
0xb3: {  	[tilespmem:s2], [sflag:$0xB] =	stream.strided.gather [hbm4b:s0+s15], $0x200, s26, s15, $0x38;
	[tilespmem:$0x14400] =	vst v63  }
0xb4: {  	s1 =	rddreg [dreg:$0x5]  }
0xb5: {  	[tilespmem:s26], [sflag:$0xB] =	stream.strided.gather [hbm4b:s1+s15], $0x200, s26, s15, $0x38;
	[tilespmem:$0x14400] =	vst v63  }
0xb6: {  	_ =	swait.ge [sflag:s29], $0x200  }
0xb7: {  	[sflag:s29] =	ssyncset.done $0x0  }
0xb8: {  	[sflag:s29] =	ssyncadd.s32 $0xFFFFFE00  }
0xb9: {  	[tilespmem:s12], [sflag:$0x1] =	stream.indirect.gather [hbm4b:s3+s15], $0x80, s2, s15, $0xb8;
	[tilespmem:$0x14400] =	vst v63  }
0xba: {  	_ = 	snop  }
0xbb: {  	[tilespmem:s11], [sflag:$0x2] =	stream.indirect.gather [hbm4b:s3+s15], $0x80, s15, s15, $0xb8;
	[tilespmem:$0x14400] =	vst v63  }
0xbc: {  	_ = 	snop  }
0xbd: {  	[tilespmem:s9], [sflag:$0x3] =	stream.indirect.gather [hbm4b:s3+s15], $0x80, s31, s15, $0xb8;
	[tilespmem:$0x14400] =	vst v63  }
0xbe: {  	_ = 	snop  }
0xbf: {  	[tilespmem:s21], [sflag:$0x4] =	stream.indirect.gather [hbm4b:s3+s15], $0x80, s24, s15, $0xb8;
	[tilespmem:$0x14400] =	vst v63  }
0xc0: {  	_ =	swait.ge [sflag:s29], $0x200  }
0xc1: {  	[sflag:s29] =	ssyncset.done $0x0  }
0xc2: {  	[sflag:s29] =	ssyncadd.s32 $0xFFFFFE00  }
0xc3: {  	_ =	swait.ge [sflag:s16], $0x4000  }
0xc4: {  	[sflag:s16] =	ssyncset.done $0x0  }
0xc5: {  	[sflag:s16] =	ssyncadd.s32 $0xFFFFC000  }
0xc6: {  	[hbm4b:s20+s2] =	stream.linear.scatter [tilespmem:s12], [sflag:$0x6], $0x4000, $0x38;
	[tilespmem:$0x14400] =	vst v63  }
0xc7: {  	_ = 	snop  }
0xc8: {  	[tilespmem:s19], [sflag:$0x5] =	stream.indirect.gather [hbm4b:s3+s15], $0x80, s26, s15, $0xb8;
	[tilespmem:$0x14400] =	vst v63  }
0xc9: {  	_ =	swait.ge [sflag:s14], $0x4000  }
0xca: {  	[sflag:s14] =	ssyncset.done $0x0  }
0xcb: {  	s24 =	rddreg [dreg:$0x6];
	[sflag:s14] =	ssyncadd.s32 $0xFFFFC000  }
0xcc: {  	[hbm4b:s24+s2] =	stream.linear.scatter [tilespmem:s11], [sflag:$0x7], $0x4000, $0x38;
	[tilespmem:$0x14400] =	vst v63  }
0xcd: {  	_ =	swait.ge [sflag:s6], $0x4000  }
0xce: {  	[sflag:s6] =	ssyncset.done $0x0  }
0xcf: {  	[sflag:s6] =	ssyncadd.s32 $0xFFFFC000  }
0xd0: {  	[tilespmem:s12], [sflag:$0x1] =	stream.indirect.gather [hbm4b:s3+s15], $0x80, s30, s15, $0xb8;
	[tilespmem:$0x14400] =	vst v63  }
0xd1: {  	_ =	swait.ge [sflag:s13], $0x4000  }
0xd2: {  	[sflag:s13] =	ssyncset.done $0x0  }
0xd3: {  	s26 =	rddreg [dreg:$0x7];
	[sflag:s13] =	ssyncadd.s32 $0xFFFFC000  }
0xd4: {  	[hbm4b:s26+s2] =	stream.linear.scatter [tilespmem:s9], [sflag:$0x8], $0x4000, $0x38;
	[tilespmem:$0x14400] =	vst v63  }
0xd5: {  	_ =	swait.ge [sflag:s7], $0x4000  }
0xd6: {  	[sflag:s7] =	ssyncset.done $0x0  }
0xd7: {  	[sflag:s7] =	ssyncadd.s32 $0xFFFFC000  }
0xd8: {  	[tilespmem:s11], [sflag:$0x2] =	stream.indirect.gather [hbm4b:s3+s15], $0x80, s28, s15, $0xb8;
	[tilespmem:$0x14400] =	vst v63  }
0xd9: {  	_ =	swait.ge [sflag:s25], $0x4000  }
0xda: {  	[sflag:s25] =	ssyncset.done $0x0  }
0xdb: {  	s29 =	rddreg [dreg:$0x8];
	[sflag:s25] =	ssyncadd.s32 $0xFFFFC000  }
0xdc: {  	[hbm4b:s29+s2] =	stream.linear.scatter [tilespmem:s21], [sflag:$0x9], $0x4000, $0x38;
	[tilespmem:$0x14400] =	vst v63  }
0xdd: {  	_ =	swait.ge [sflag:s10], $0x4000  }
0xde: {  	[sflag:s10] =	ssyncset.done $0x0  }
0xdf: {  	s30 =	simm.s32 $0x380;
	[sflag:s10] =	ssyncadd.s32 $0xFFFFC000  }
0xe0: {  	[tilespmem:s9], [sflag:$0x3] =	stream.indirect.gather [hbm4b:s3+s15], $0x80, s30, s15, $0xb8;
	[tilespmem:$0x14400] =	vst v63  }
0xe1: {  	_ =	swait.ge [sflag:s22], $0x4000  }
0xe2: {  	[sflag:s22] =	ssyncset.done $0x0  }
0xe3: {  	s31 =	rddreg [dreg:$0x9];
	[sflag:s22] =	ssyncadd.s32 $0xFFFFC000  }
0xe4: {  	[hbm4b:s31+s2] =	stream.linear.scatter [tilespmem:s19], [sflag:$0xA], $0x4000, $0x38;
	[tilespmem:$0x14400] =	vst v63  }
0xe5: {  	_ =	swait.ge [sflag:s16], $0x4000  }
0xe6: {  	[sflag:s16] =	ssyncset.done $0x0  }
0xe7: {  	[sflag:s16] =	ssyncadd.s32 $0xFFFFC000  }
0xe8: {  	[hbm4b:s8+s2] =	stream.linear.scatter [tilespmem:s12], [sflag:$0x6], $0x4000, $0x38;
	[tilespmem:$0x14400] =	vst v63  }
0xe9: {  	_ =	swait.ge [sflag:s14], $0x4000  }
0xea: {  	[sflag:s14] =	ssyncset.done $0x0  }
0xeb: {  	[sflag:s14] =	ssyncadd.s32 $0xFFFFC000  }
0xec: {  	[hbm4b:s5+s2] =	stream.linear.scatter [tilespmem:s11], [sflag:$0x7], $0x4000, $0x38;
	[tilespmem:$0x14400] =	vst v63  }
0xed: {  	_ =	swait.ge [sflag:s13], $0x4000  }
0xee: {  	[sflag:s13] =	ssyncset.done $0x0  }
0xef: {  	[sflag:s13] =	ssyncadd.s32 $0xFFFFC000  }
0xf0: {  	[hbm4b:s4+s2] =	stream.linear.scatter [tilespmem:s9], [sflag:$0x8], $0x4000, $0x38;
	[tilespmem:$0x14400] =	vst v63  }
0xf1: {  	_ =	swait.ge [sflag:s18], $0x4000  }
0xf2: {  	[sflag:s18] =	ssyncset.done $0x0  }
0xf3: {  	[sflag:s18] =	ssyncadd.s32 $0xFFFFC000  }
0xf4: {  	_ =	swait.ge [sflag:s17], $0x4000  }
0xf5: {  	[sflag:s17] =	ssyncset.done $0x0  }
0xf6: {  	[sflag:s17] =	ssyncadd.s32 $0xFFFFC000  }
0xf7: {  	_ =	swait.ge [sflag:s6], $0x4000  }
0xf8: {  	[sflag:s6] =	ssyncset.done $0x0  }
0xf9: {  	[sflag:s6] =	ssyncadd.s32 $0xFFFFC000  }
0xfa: {  	_ =	swait.ge [sflag:s7], $0x4000  }
0xfb: {  	[sflag:s7] =	ssyncset.done $0x0  }
0xfc: {  	[sflag:s7] =	ssyncadd.s32 $0xFFFFC000  }
0xfd: {  	_ =	swait.ge [sflag:s10], $0x4000  }
0xfe: {  	[sflag:s10] =	ssyncset.done $0x0  }
0xff: {  	[sflag:s10] =	ssyncadd.s32 $0xFFFFC000  }
0x100: {  	_ =	sfence.sel $0x180000  }
0x101: {  	[bflag:$0x0] =	sbarrier.arrive $0xFFFF  }
0x102: {  	_ =	strace $0x90000047  }
0x103: {  	[bflag:$0x2] =	sbarrier.arrive $0xFFFF  }
0x104: {  	p0 =	sne.s32 s23, $0x0;
	s0 =	rddreg [dreg:$0x3]  }
0x105: {  	s0 =	sadd.s32 @!p0 $0x100000, s0  }
0x106: {  	[sflag:s0] =	ssyncadd.tile.s32 @!p0 $0x1;
	_ =	shalt  }
.LBB2_1:
.Ltmp3:
0x107: {  	(pc) =	sbr.rel .LBB2_6-.Ltmp3, $3  }
0x108: {  	_ =	sdelay $0x1  }
0x109: {  	s24 =	simm.s32 $0x180  }
0x10a: {  	s31 =	simm.s32 $0x100;
	s30 =	simm.s32 $0x280;
	s28 =	simm.s32 $0x300  }
.LBB2_3:
.Ltmp4:
0x10b: {  	(pc) =	sbr.rel .LBB2_6-.Ltmp4, $3  }
0x10c: {  	_ =	sdelay $0x1  }
0x10d: {  	s24 =	simm.s32 $0x180;
	s31 =	simm.s32 $0x100  }
0x10e: {  	s30 =	simm.s32 $0x280;
	s28 =	simm.s32 $0x300;
	s23 =	stileid.u32  }
.Lfunc_end2:
_tile_overlayer_lowered:
.L_overlay_start_2:
0x10f: {  	(tag) =	ssettag $0x2  }
0x110: {  	s0 =	rddreg [dreg:$0x0];
	s2 =	stileid.u32  }
0x111: {  	s1 =	rddreg [dreg:$0x1];
	p0 =	sne.s32 s2, $0x0  }
0x112: {  	s3 =	rddreg [dreg:$0x2];
	[bflag:$0x3] =	sbarrier.arrive $0xFFFF;
	s2 =	simm.s32 @!p0 $0x1C0C  }
0x113: {  	[timem:s3], [sflag:s2] =	dma.local @!p0 [hbm:s0], s1  }
0x114: {  	s0 =	simm.s32 @!p0 $0xC  }
0x115: {  	_ =	swait.ge @!p0 [sflag:s0], s1  }
0x116: {  	s1 =	ssub.s32 @!p0 $0x0, s1;
	[sflag:s0] =	ssyncset.done @!p0 $0x0  }
0x117: {  	[sflag:s0] =	ssyncadd.s32 @!p0 s1  }
0x118: {  	[bflag:$0x3] =	sbarrier.arrive $0xFFFF  }
0x119: {  	_ =	shalt  }

</sc_bundles>
